<compile_context>
chip_gen: v7x
topology: tpu7x:2x2x1
jax: 0.10.2.dev20260603
libtpu: 0.0.44.dev20260713+nightly
codegen_flags: <defaults>
</compile_context>

<pallas_src>
import functools

import jax
import jax.numpy as jnp
from jax import lax
from jax.experimental import pallas as pl
from jax.experimental.pallas import tpu as pltpu
from jax.experimental.pallas import tpu_sc as plsc

K = 5
ALPHA_ = 0.5
TEMP = 10.0
NEG = -3.0
IBIG = 2**31 - 1

VOCAB = 100000
VBLK = 4096
NBLK = (VOCAB + VBLK - 1) // VBLK
G = VBLK // 128
GBITS = 5
SG = 8
FBITS = 8
EXP_HI = 0x40000000

NQ = 2048
D = 64

_NC = 2
_NS = 16
_NW = _NC * _NS
_QPW = NQ // _NW
_RPW = _QPW * K


def _top5_of(vals, ids):
    out_v, out_i = [], []
    x = vals
    for _ in range(K):
        m = jnp.max(x, axis=1, keepdims=True)
        idh = jnp.where(x == m, ids, IBIG)
        a = jnp.min(idh, axis=1, keepdims=True)
        x = jnp.where(idh == a, NEG, x)
        out_v.append(m)
        out_i.append(a)
    return jnp.concatenate(out_v, axis=1), jnp.concatenate(out_i, axis=1)


def _topk_kernel(q_ref, v_ref, w_ref, i_ref, qn_ref, cv_ref, ci_ref,
                 m1_ref, m2_ref):
    j = pl.program_id(0)

    @pl.when(j == 0)
    def _():
        q = q_ref[...]
        qn2 = jnp.sum(q * q, axis=1, keepdims=True)
        qn = q * (1.0 / jnp.maximum(jnp.sqrt(qn2), 1e-12))
        lane = lax.broadcasted_iota(jnp.int32, (NQ, D), 1)
        aug = jnp.where(lane == 0, 2.5, 0.0)
        qn_ref[...] = jnp.concatenate([qn, aug], axis=1)
        cv_ref[...] = jnp.zeros((NQ, K), jnp.float32)
        ci_ref[...] = jnp.full((NQ, K), IBIG, jnp.int32)

    vblk = v_ref[...]
    rows = lax.broadcasted_iota(jnp.int32, (VBLK, D), 0)
    vblk = jnp.where(rows < VOCAB - j * VBLK, vblk, 0.0)
    n2 = jnp.sum(vblk * vblk, axis=1, keepdims=True)
    vn = vblk * (1.0 / jnp.maximum(jnp.sqrt(n2), 1e-12))
    lane = lax.broadcasted_iota(jnp.int32, (VBLK, D), 1)
    vaug = jnp.concatenate([vn, jnp.where(lane == 0, 1.0, 0.0)], axis=1)
    qn = qn_ref[...]

    sg = j & (SG - 1)
    neg = jnp.full((NQ, 128), -2**31, jnp.int32)
    m1 = jnp.where(sg == 0, neg, m1_ref[...])
    m2 = jnp.where(sg == 0, neg, m2_ref[...])
    for gq in range(G // 4):
        sim = lax.dot_general(
            qn, vaug[gq * 512:(gq + 1) * 512, :], (((1,), (1,)), ((), ())),
            preferred_element_type=jnp.float32)
        ki = lax.bitcast_convert_type(sim, jnp.int32)
        c = (SG - 1 - sg) * (G // 4) + (G // 4 - 1 - gq)
        ks = [(ki[:, m * 128:(m + 1) * 128] << FBITS) + (4 * c + 3 - m)
              for m in range(4)]
        kg = jnp.maximum(jnp.maximum(ks[0], ks[1]),
                         jnp.maximum(ks[2], ks[3]))
        m2 = jnp.maximum(m2, jnp.minimum(kg, m1))
        m1 = jnp.maximum(m1, kg)
    m1_ref[...] = m1
    m2_ref[...] = m2

    @pl.when((sg == SG - 1) | (j == NBLK - 1))
    def _():
        lanes = lax.broadcasted_iota(jnp.int32, (NQ, 256), 1)
        x = jnp.concatenate([m1, m2], axis=1)
        base = (j & ~(SG - 1)) * VBLK
        bv, bi = [], []
        for _ in range(K):
            e = jnp.max(x, axis=1, keepdims=True)
            idh = jnp.where(x == e, lanes, IBIG)
            a = jnp.min(idh, axis=1, keepdims=True)
            x = jnp.where(idh == a, -2**31, x)
            vb = lax.shift_right_logical(e, FBITS) & (2**25 - 1)
            bv.append(lax.bitcast_convert_type(vb | EXP_HI, jnp.float32))
            f = e & 255
            member = 3 - (f & 3)
            cc = f >> 2
            blk = SG - 1 - (cc >> 3)
            grp = 4 * (G // 4 - 1 - (cc & (G // 4 - 1))) + member
            bi.append(base + blk * VBLK + grp * 128 + (a & 127))
        bv = jnp.concatenate(bv, axis=1)
        bi = jnp.concatenate(bi, axis=1)

        mv, mi = _top5_of(
            jnp.concatenate([cv_ref[...], bv], axis=1),
            jnp.concatenate([ci_ref[...], bi], axis=1))
        cv_ref[...] = mv
        ci_ref[...] = mi

    @pl.when(j == NBLK - 1)
    def _():
        v5 = cv_ref[...]
        m = jnp.max(v5, axis=1, keepdims=True)
        e = jnp.exp((v5 - m) * TEMP)
        w = e / jnp.sum(e, axis=1, keepdims=True)
        w_ref[...] = (1.0 - ALPHA_) * w
        i_ref[...] = ci_ref[...]


def _run_topk(q, vocab):
    return pl.pallas_call(
        _topk_kernel,
        grid=(NBLK,),
        in_specs=[
            pl.BlockSpec((NQ, D), lambda j: (0, 0)),
            pl.BlockSpec((VBLK, D), lambda j: (j, 0)),
        ],
        out_specs=[
            pl.BlockSpec((NQ, K), lambda j: (0, 0)),
            pl.BlockSpec((NQ, K), lambda j: (0, 0)),
        ],
        out_shape=[
            jax.ShapeDtypeStruct((NQ, K), jnp.float32),
            jax.ShapeDtypeStruct((NQ, K), jnp.int32),
        ],
        scratch_shapes=[
            pltpu.VMEM((NQ, 2 * D), jnp.float32),
            pltpu.VMEM((NQ, K), jnp.float32),
            pltpu.VMEM((NQ, K), jnp.int32),
            pltpu.VMEM((NQ, 128), jnp.int32),
            pltpu.VMEM((NQ, 128), jnp.int32),
        ],
    )(q, vocab)


def _combine_kernel(vocab_hbm, emb_hbm, wb_hbm, idx_hbm, out_hbm,
                    idx_v, rows_v, emb_v, wb_v, out_v, sem):
    wid = lax.axis_index("s") * _NC + lax.axis_index("c")
    rbase = wid * _RPW
    qbase = wid * _QPW
    pltpu.sync_copy(idx_hbm.at[pl.ds(rbase, _RPW)], idx_v)
    gat = pltpu.async_copy(vocab_hbm.at[idx_v], rows_v, sem)
    pltpu.sync_copy(emb_hbm.at[pl.ds(qbase, _QPW)], emb_v)
    pltpu.sync_copy(wb_hbm.at[pl.ds(qbase, _QPW)], wb_v)
    gat.wait()

    def body(q, carry):
        for d in range(D // 16):
            sl = pl.ds(d * 16, 16)
            acc = ALPHA_ * emb_v[q, sl]
            for k in range(K):
                acc = acc + wb_v[q, pl.ds(k * 16, 16)] * rows_v[q * K + k, sl]
            out_v[q, sl] = acc
        return carry

    lax.fori_loop(0, _QPW, body, 0)
    pltpu.sync_copy(out_v, out_hbm.at[pl.ds(qbase, _QPW)])


@functools.cache
def _build_combine():
    return pl.kernel(
        _combine_kernel,
        mesh=plsc.VectorSubcoreMesh(core_axis_name="c", subcore_axis_name="s"),
        out_type=jax.ShapeDtypeStruct((NQ, D), jnp.float32),
        scratch_types=[
            pltpu.VMEM((_RPW,), jnp.int32),
            pltpu.VMEM((_RPW, D), jnp.float32),
            pltpu.VMEM((_QPW, D), jnp.float32),
            pltpu.VMEM((_QPW, K * 16), jnp.float32),
            pltpu.VMEM((_QPW, D), jnp.float32),
            pltpu.SemaphoreType.DMA,
        ],
        compiler_params=pltpu.CompilerParams(use_tc_tiling_on_sc=False),
    )


def kernel(embeddings, vocab_embeddings):
    B, S, Dd = embeddings.shape
    q = embeddings.reshape(NQ, D)
    w, idx = _run_topk(q, vocab_embeddings)
    wb = jnp.repeat(w, 16, axis=1)
    out = _build_combine()(vocab_embeddings, q, wb, idx.reshape(-1))
    return out.reshape(B, S, Dd)

# --- scband reference (transcript-rebuilt; emitter-appended) ---
"""Pipeline reference for scband-nearest-kprojector-77988016161038 (READ-ONLY COPY).

The authoritative reference and input builder live on the scoring server;
editing this copy changes nothing except your own understanding.
"""

import jax, jax.numpy as jnp
import numpy as np

K_NEIGHBORS = 5
ALPHA = 0.5

def setup_inputs(seed: int = 0) -> dict:
    key = jax.random.key(seed)
    k1, k2 = jax.random.split(key)
    embeddings = jax.random.normal(k1, (1, 2048, 64), dtype=jnp.float32)
    vocab_embeddings = jax.random.normal(k2, (100000, 64), dtype=jnp.float32)
    return {"embeddings": embeddings, "vocab_embeddings": vocab_embeddings}

def _l2_normalize(x, eps=1e-12):
    norm = jnp.linalg.norm(x, axis=-1, keepdims=True)
    return x / jnp.maximum(norm, eps)

def reference(embeddings, vocab_embeddings):
    B, S, D = embeddings.shape
    embeddings_flat = embeddings.reshape(-1, D)
    embeddings_norm = _l2_normalize(embeddings_flat)
    vocab_norm = _l2_normalize(vocab_embeddings)
    sim = embeddings_norm @ vocab_norm.T  # [B*S, vocab]
    topk_sim, topk_idx = jax.lax.top_k(sim, K_NEIGHBORS)  # [B*S, k]
    topk_weights = jax.nn.softmax(topk_sim * 10.0, axis=-1)  # [B*S, k]
    topk_embeddings = jnp.take(vocab_embeddings, topk_idx, axis=0)  # [B*S, k, D]
    projected = jnp.sum(topk_weights[..., None] * topk_embeddings, axis=1)  # [B*S, D]
    result = ALPHA * embeddings_flat + (1.0 - ALPHA) * projected
    return result.reshape(B, S, D)

if __name__ == "__main__":
    import jax
    _d = setup_inputs()
    print(jax.jit(kernel)(*tuple(_d.values())))

</pallas_src>

<mosaic_0001>
#map = affine_map<(d0, d1) -> (0, 0)>
#map1 = affine_map<(d0, d1) -> (0)>
module attributes {stable_mosaic.version = 14 : i64} {
  func.func @_combine_kernel(%arg0: i32, %arg1: i32, %arg2: memref<100000x64xf32, #tpu.memory_space<hbm>>, %arg3: memref<2048x64xf32, #tpu.memory_space<hbm>>, %arg4: memref<2048x80xf32, #tpu.memory_space<hbm>>, %arg5: memref<10240xi32, #tpu.memory_space<hbm>>, %arg6: memref<2048x64xf32, #tpu.memory_space<hbm>>, %arg7: memref<320xi32, #tpu.memory_space<vmem>>, %arg8: memref<320x64xf32, #tpu.memory_space<vmem>>, %arg9: memref<64x64xf32, #tpu.memory_space<vmem>>, %arg10: memref<64x80xf32, #tpu.memory_space<vmem>>, %arg11: memref<64x64xf32, #tpu.memory_space<vmem>>, %arg12: memref<!tpu.dma_semaphore, #tpu.memory_space<semaphore_mem>>) attributes {dimension_semantics = [#tpu.dimension_semantics<core_parallel>, #tpu.dimension_semantics<subcore_parallel>], iteration_bounds = array<i64: 2, 16>, scalar_prefetch = 0 : i64, scratch_operands = 6 : i64, tpu.core_type = #tpu.core_type<sc_vector_subcore>, window_params = [{transform_indices = #map}, {transform_indices = #map}, {transform_indices = #map}, {transform_indices = #map1}, {transform_indices = #map}]} {
    %mul3A = arith.constant 2 : i32
    %mul3A_0 = arith.muli %arg1, %mul3A : i32
    %add3A = arith.addi %mul3A_0, %arg0 : i32
    %mul3A_1 = arith.constant 320 : i32
    %mul3A_2 = arith.muli %add3A, %mul3A_1 : i32
    %mul3A_3 = arith.constant 64 : i32
    %mul3A_4 = arith.muli %add3A, %mul3A_3 : i32
    "tpu.region"() ({
      %run_scoped3A = tpu.sem_alloc : memref<!tpu.dma_semaphore, #tpu.memory_space<semaphore_mem>>
      %dma_start3A_14 = tpu.memref_slice %arg5[%mul3A_2] : memref<10240xi32, #tpu.memory_space<hbm>> -> memref<320xi32, #tpu.memory_space<hbm>>
      %dma_start3A_15 = tpu.memref_slice %arg5[%mul3A_2] : memref<10240xi32, #tpu.memory_space<hbm>> -> memref<320xi32, #tpu.memory_space<hbm>>
      tpu.enqueue_dma source(%dma_start3A_15 : memref<320xi32, #tpu.memory_space<hbm>>) target(%arg7 : memref<320xi32, #tpu.memory_space<vmem>>) target_semaphore(%run_scoped3A : memref<!tpu.dma_semaphore, #tpu.memory_space<semaphore_mem>>)
      %dma_wait3A_16 = tpu.memref_slice %arg5[%mul3A_2] : memref<10240xi32, #tpu.memory_space<hbm>> -> memref<320xi32, #tpu.memory_space<hbm>>
      %dma_wait3A_17 = tpu.memref_slice %arg5[%mul3A_2] : memref<10240xi32, #tpu.memory_space<hbm>> -> memref<320xi32, #tpu.memory_space<hbm>>
      tpu.wait_dma2 semaphore(%run_scoped3A : memref<!tpu.dma_semaphore, #tpu.memory_space<semaphore_mem>>) src(%dma_wait3A_17 : memref<320xi32, #tpu.memory_space<hbm>>) dst(%arg7 : memref<320xi32, #tpu.memory_space<vmem>>)
      tpu.yield
    }) : () -> ()
    %dma_start3A = arith.constant 0 : i32
    %dma_start3A_5 = arith.constant 0 : i32
    %dma_start3A_6 = tpu.memref_slice %arg2[%dma_start3A, %dma_start3A_5] : memref<100000x64xf32, #tpu.memory_space<hbm>> -> memref<100000x64xf32, #tpu.memory_space<hbm>>
    tpu.enqueue_indirect_dma source(%dma_start3A_6 : memref<100000x64xf32, #tpu.memory_space<hbm>>) target(%arg8 : memref<320x64xf32, #tpu.memory_space<vmem>>) offsets(%arg7 : memref<320xi32, #tpu.memory_space<vmem>>) semaphore(%arg12 : memref<!tpu.dma_semaphore, #tpu.memory_space<semaphore_mem>>)
    "tpu.region"() ({
      %run_scoped3A = tpu.sem_alloc : memref<!tpu.dma_semaphore, #tpu.memory_space<semaphore_mem>>
      %dma_start3A_14 = arith.constant 0 : i32
      %dma_start3A_15 = tpu.memref_slice %arg3[%mul3A_4, %dma_start3A_14] : memref<2048x64xf32, #tpu.memory_space<hbm>> -> memref<64x64xf32, #tpu.memory_space<hbm>>
      %dma_start3A_16 = arith.constant 0 : i32
      %dma_start3A_17 = tpu.memref_slice %arg3[%mul3A_4, %dma_start3A_16] : memref<2048x64xf32, #tpu.memory_space<hbm>> -> memref<64x64xf32, #tpu.memory_space<hbm>>
      tpu.enqueue_dma source(%dma_start3A_17 : memref<64x64xf32, #tpu.memory_space<hbm>>) target(%arg9 : memref<64x64xf32, #tpu.memory_space<vmem>>) target_semaphore(%run_scoped3A : memref<!tpu.dma_semaphore, #tpu.memory_space<semaphore_mem>>)
      %dma_wait3A_18 = arith.constant 0 : i32
      %dma_wait3A_19 = tpu.memref_slice %arg3[%mul3A_4, %dma_wait3A_18] : memref<2048x64xf32, #tpu.memory_space<hbm>> -> memref<64x64xf32, #tpu.memory_space<hbm>>
      %dma_wait3A_20 = arith.constant 0 : i32
      %dma_wait3A_21 = tpu.memref_slice %arg3[%mul3A_4, %dma_wait3A_20] : memref<2048x64xf32, #tpu.memory_space<hbm>> -> memref<64x64xf32, #tpu.memory_space<hbm>>
      tpu.wait_dma2 semaphore(%run_scoped3A : memref<!tpu.dma_semaphore, #tpu.memory_space<semaphore_mem>>) src(%dma_wait3A_21 : memref<64x64xf32, #tpu.memory_space<hbm>>) dst(%arg9 : memref<64x64xf32, #tpu.memory_space<vmem>>)
      tpu.yield
    }) : () -> ()
    "tpu.region"() ({
      %run_scoped3A = tpu.sem_alloc : memref<!tpu.dma_semaphore, #tpu.memory_space<semaphore_mem>>
      %dma_start3A_14 = arith.constant 0 : i32
      %dma_start3A_15 = tpu.memref_slice %arg4[%mul3A_4, %dma_start3A_14] : memref<2048x80xf32, #tpu.memory_space<hbm>> -> memref<64x80xf32, #tpu.memory_space<hbm>>
      %dma_start3A_16 = arith.constant 0 : i32
      %dma_start3A_17 = tpu.memref_slice %arg4[%mul3A_4, %dma_start3A_16] : memref<2048x80xf32, #tpu.memory_space<hbm>> -> memref<64x80xf32, #tpu.memory_space<hbm>>
      tpu.enqueue_dma source(%dma_start3A_17 : memref<64x80xf32, #tpu.memory_space<hbm>>) target(%arg10 : memref<64x80xf32, #tpu.memory_space<vmem>>) target_semaphore(%run_scoped3A : memref<!tpu.dma_semaphore, #tpu.memory_space<semaphore_mem>>)
      %dma_wait3A_18 = arith.constant 0 : i32
      %dma_wait3A_19 = tpu.memref_slice %arg4[%mul3A_4, %dma_wait3A_18] : memref<2048x80xf32, #tpu.memory_space<hbm>> -> memref<64x80xf32, #tpu.memory_space<hbm>>
      %dma_wait3A_20 = arith.constant 0 : i32
      %dma_wait3A_21 = tpu.memref_slice %arg4[%mul3A_4, %dma_wait3A_20] : memref<2048x80xf32, #tpu.memory_space<hbm>> -> memref<64x80xf32, #tpu.memory_space<hbm>>
      tpu.wait_dma2 semaphore(%run_scoped3A : memref<!tpu.dma_semaphore, #tpu.memory_space<semaphore_mem>>) src(%dma_wait3A_21 : memref<64x80xf32, #tpu.memory_space<hbm>>) dst(%arg10 : memref<64x80xf32, #tpu.memory_space<vmem>>)
      tpu.yield
    }) : () -> ()
    %dma_wait3A = arith.constant 0 : i32
    %dma_wait3A_7 = arith.constant 0 : i32
    %dma_wait3A_8 = tpu.memref_slice %arg2[%dma_wait3A, %dma_wait3A_7] : memref<100000x64xf32, #tpu.memory_space<hbm>> -> memref<100000x64xf32, #tpu.memory_space<hbm>>
    tpu.wait_indirect_dma semaphore(%arg12 : memref<!tpu.dma_semaphore, #tpu.memory_space<semaphore_mem>>) src(%dma_wait3A_8 : memref<100000x64xf32, #tpu.memory_space<hbm>>) dst(%arg8 : memref<320x64xf32, #tpu.memory_space<vmem>>)
    %scan3A = arith.constant 0 : i32
    %scan3A_9 = arith.constant 0 : i32
    %scan3A_10 = arith.constant 64 : i32
    %scan3A_11 = arith.addi %scan3A_9, %scan3A_10 : i32
    %scan3A_12 = arith.constant 1 : i32
    scf.for %scan3A_14 = %scan3A_9 to %scan3A_11 step %scan3A_12  : i32 {
      %get3A = arith.index_cast %scan3A_14 : i32 to index
      %get3A_15 = arith.constant 0 : index
      %get3A_16 = tpu.vector_load %arg9[%get3A, %get3A_15] {strides = array<i32>} : memref<64x64xf32, #tpu.memory_space<vmem>>, vector<1x16xf32>,
      %get3A_17 = vector.shape_cast %get3A_16 : vector<1x16xf32> to vector<16xf32>
      %mul3A_18 = arith.constant 5.000000e-01 : f32
      %mul3A_19 = vector.broadcast %mul3A_18 : f32 to vector<16xf32>
      %mul3A_20 = arith.mulf %mul3A_19, %get3A_17 : vector<16xf32>
      %get3A_21 = arith.index_cast %scan3A_14 : i32 to index
      %get3A_22 = arith.constant 0 : index
      %get3A_23 = tpu.vector_load %arg10[%get3A_21, %get3A_22] {strides = array<i32>} : memref<64x80xf32, #tpu.memory_space<vmem>>, vector<1x16xf32>,
      %get3A_24 = vector.shape_cast %get3A_23 : vector<1x16xf32> to vector<16xf32>
      %mul3A_25 = arith.constant 5 : i32
      %mul3A_26 = arith.muli %scan3A_14, %mul3A_25 : i32
      %add3A_27 = arith.constant 0 : i32
      %add3A_28 = arith.addi %mul3A_26, %add3A_27 : i32
      %get3A_29 = arith.index_cast %add3A_28 : i32 to index
      %get3A_30 = arith.constant 0 : index
      %get3A_31 = tpu.vector_load %arg8[%get3A_29, %get3A_30] {strides = array<i32>} : memref<320x64xf32, #tpu.memory_space<vmem>>, vector<1x16xf32>,
      %get3A_32 = vector.shape_cast %get3A_31 : vector<1x16xf32> to vector<16xf32>
      %mul3A_33 = arith.mulf %get3A_24, %get3A_32 : vector<16xf32>
      %add3A_34 = arith.addf %mul3A_20, %mul3A_33 : vector<16xf32>
      %get3A_35 = arith.index_cast %scan3A_14 : i32 to index
      %get3A_36 = arith.constant 16 : index
      %get3A_37 = tpu.vector_load %arg10[%get3A_35, %get3A_36] {strides = array<i32>} : memref<64x80xf32, #tpu.memory_space<vmem>>, vector<1x16xf32>,
      %get3A_38 = vector.shape_cast %get3A_37 : vector<1x16xf32> to vector<16xf32>
      %mul3A_39 = arith.constant 5 : i32
      %mul3A_40 = arith.muli %scan3A_14, %mul3A_39 : i32
      %add3A_41 = arith.constant 1 : i32
      %add3A_42 = arith.addi %mul3A_40, %add3A_41 : i32
      %get3A_43 = arith.index_cast %add3A_42 : i32 to index
      %get3A_44 = arith.constant 0 : index
      %get3A_45 = tpu.vector_load %arg8[%get3A_43, %get3A_44] {strides = array<i32>} : memref<320x64xf32, #tpu.memory_space<vmem>>, vector<1x16xf32>,
      %get3A_46 = vector.shape_cast %get3A_45 : vector<1x16xf32> to vector<16xf32>
      %mul3A_47 = arith.mulf %get3A_38, %get3A_46 : vector<16xf32>
      %add3A_48 = arith.addf %add3A_34, %mul3A_47 : vector<16xf32>
      %get3A_49 = arith.index_cast %scan3A_14 : i32 to index
      %get3A_50 = arith.constant 32 : index
      %get3A_51 = tpu.vector_load %arg10[%get3A_49, %get3A_50] {strides = array<i32>} : memref<64x80xf32, #tpu.memory_space<vmem>>, vector<1x16xf32>,
      %get3A_52 = vector.shape_cast %get3A_51 : vector<1x16xf32> to vector<16xf32>
      %mul3A_53 = arith.constant 5 : i32
      %mul3A_54 = arith.muli %scan3A_14, %mul3A_53 : i32
      %add3A_55 = arith.constant 2 : i32
      %add3A_56 = arith.addi %mul3A_54, %add3A_55 : i32
      %get3A_57 = arith.index_cast %add3A_56 : i32 to index
      %get3A_58 = arith.constant 0 : index
      %get3A_59 = tpu.vector_load %arg8[%get3A_57, %get3A_58] {strides = array<i32>} : memref<320x64xf32, #tpu.memory_space<vmem>>, vector<1x16xf32>,
      %get3A_60 = vector.shape_cast %get3A_59 : vector<1x16xf32> to vector<16xf32>
      %mul3A_61 = arith.mulf %get3A_52, %get3A_60 : vector<16xf32>
      %add3A_62 = arith.addf %add3A_48, %mul3A_61 : vector<16xf32>
      %get3A_63 = arith.index_cast %scan3A_14 : i32 to index
      %get3A_64 = arith.constant 48 : index
      %get3A_65 = tpu.vector_load %arg10[%get3A_63, %get3A_64] {strides = array<i32>} : memref<64x80xf32, #tpu.memory_space<vmem>>, vector<1x16xf32>,
      %get3A_66 = vector.shape_cast %get3A_65 : vector<1x16xf32> to vector<16xf32>
      %mul3A_67 = arith.constant 5 : i32
      %mul3A_68 = arith.muli %scan3A_14, %mul3A_67 : i32
      %add3A_69 = arith.constant 3 : i32
      %add3A_70 = arith.addi %mul3A_68, %add3A_69 : i32
      %get3A_71 = arith.index_cast %add3A_70 : i32 to index
      %get3A_72 = arith.constant 0 : index
      %get3A_73 = tpu.vector_load %arg8[%get3A_71, %get3A_72] {strides = array<i32>} : memref<320x64xf32, #tpu.memory_space<vmem>>, vector<1x16xf32>,
      %get3A_74 = vector.shape_cast %get3A_73 : vector<1x16xf32> to vector<16xf32>
      %mul3A_75 = arith.mulf %get3A_66, %get3A_74 : vector<16xf32>
      %add3A_76 = arith.addf %add3A_62, %mul3A_75 : vector<16xf32>
      %get3A_77 = arith.index_cast %scan3A_14 : i32 to index
      %get3A_78 = arith.constant 64 : index
      %get3A_79 = tpu.vector_load %arg10[%get3A_77, %get3A_78] {strides = array<i32>} : memref<64x80xf32, #tpu.memory_space<vmem>>, vector<1x16xf32>,
      %get3A_80 = vector.shape_cast %get3A_79 : vector<1x16xf32> to vector<16xf32>
      %mul3A_81 = arith.constant 5 : i32
      %mul3A_82 = arith.muli %scan3A_14, %mul3A_81 : i32
      %add3A_83 = arith.constant 4 : i32
      %add3A_84 = arith.addi %mul3A_82, %add3A_83 : i32
      %get3A_85 = arith.index_cast %add3A_84 : i32 to index
      %get3A_86 = arith.constant 0 : index
      %get3A_87 = tpu.vector_load %arg8[%get3A_85, %get3A_86] {strides = array<i32>} : memref<320x64xf32, #tpu.memory_space<vmem>>, vector<1x16xf32>,
      %get3A_88 = vector.shape_cast %get3A_87 : vector<1x16xf32> to vector<16xf32>
      %mul3A_89 = arith.mulf %get3A_80, %get3A_88 : vector<16xf32>
      %add3A_90 = arith.addf %add3A_76, %mul3A_89 : vector<16xf32>
      %swap3A = arith.index_cast %scan3A_14 : i32 to index
      %swap3A_91 = arith.constant 0 : index
      %swap3A_92 = tpu.vector_load %arg11[%swap3A, %swap3A_91] {strides = array<i32>} : memref<64x64xf32, #tpu.memory_space<vmem>>, vector<1x16xf32>,
      %swap3A_93 = vector.shape_cast %swap3A_92 : vector<1x16xf32> to vector<16xf32>
      %swap3A_94 = vector.shape_cast %add3A_90 : vector<16xf32> to vector<1x16xf32>
      tpu.vector_store %arg11[%swap3A, %swap3A_91], %swap3A_94 {strides = array<i32>} : memref<64x64xf32, #tpu.memory_space<vmem>>, vector<1x16xf32>,
      %get3A_95 = arith.index_cast %scan3A_14 : i32 to index
      %get3A_96 = arith.constant 16 : index
      %get3A_97 = tpu.vector_load %arg9[%get3A_95, %get3A_96] {strides = array<i32>} : memref<64x64xf32, #tpu.memory_space<vmem>>, vector<1x16xf32>,
      %get3A_98 = vector.shape_cast %get3A_97 : vector<1x16xf32> to vector<16xf32>
      %mul3A_99 = arith.constant 5.000000e-01 : f32
      %mul3A_100 = vector.broadcast %mul3A_99 : f32 to vector<16xf32>
      %mul3A_101 = arith.mulf %mul3A_100, %get3A_98 : vector<16xf32>
      %get3A_102 = arith.index_cast %scan3A_14 : i32 to index
      %get3A_103 = arith.constant 0 : index
      %get3A_104 = tpu.vector_load %arg10[%get3A_102, %get3A_103] {strides = array<i32>} : memref<64x80xf32, #tpu.memory_space<vmem>>, vector<1x16xf32>,
      %get3A_105 = vector.shape_cast %get3A_104 : vector<1x16xf32> to vector<16xf32>
      %mul3A_106 = arith.constant 5 : i32
      %mul3A_107 = arith.muli %scan3A_14, %mul3A_106 : i32
      %add3A_108 = arith.constant 0 : i32
      %add3A_109 = arith.addi %mul3A_107, %add3A_108 : i32
      %get3A_110 = arith.index_cast %add3A_109 : i32 to index
      %get3A_111 = arith.constant 16 : index
      %get3A_112 = tpu.vector_load %arg8[%get3A_110, %get3A_111] {strides = array<i32>} : memref<320x64xf32, #tpu.memory_space<vmem>>, vector<1x16xf32>,
      %get3A_113 = vector.shape_cast %get3A_112 : vector<1x16xf32> to vector<16xf32>
      %mul3A_114 = arith.mulf %get3A_105, %get3A_113 : vector<16xf32>
      %add3A_115 = arith.addf %mul3A_101, %mul3A_114 : vector<16xf32>
      %get3A_116 = arith.index_cast %scan3A_14 : i32 to index
      %get3A_117 = arith.constant 16 : index
      %get3A_118 = tpu.vector_load %arg10[%get3A_116, %get3A_117] {strides = array<i32>} : memref<64x80xf32, #tpu.memory_space<vmem>>, vector<1x16xf32>,
      %get3A_119 = vector.shape_cast %get3A_118 : vector<1x16xf32> to vector<16xf32>
      %mul3A_120 = arith.constant 5 : i32
      %mul3A_121 = arith.muli %scan3A_14, %mul3A_120 : i32
      %add3A_122 = arith.constant 1 : i32
      %add3A_123 = arith.addi %mul3A_121, %add3A_122 : i32
      %get3A_124 = arith.index_cast %add3A_123 : i32 to index
      %get3A_125 = arith.constant 16 : index
      %get3A_126 = tpu.vector_load %arg8[%get3A_124, %get3A_125] {strides = array<i32>} : memref<320x64xf32, #tpu.memory_space<vmem>>, vector<1x16xf32>,
      %get3A_127 = vector.shape_cast %get3A_126 : vector<1x16xf32> to vector<16xf32>
      %mul3A_128 = arith.mulf %get3A_119, %get3A_127 : vector<16xf32>
      %add3A_129 = arith.addf %add3A_115, %mul3A_128 : vector<16xf32>
      %get3A_130 = arith.index_cast %scan3A_14 : i32 to index
      %get3A_131 = arith.constant 32 : index
      %get3A_132 = tpu.vector_load %arg10[%get3A_130, %get3A_131] {strides = array<i32>} : memref<64x80xf32, #tpu.memory_space<vmem>>, vector<1x16xf32>,
      %get3A_133 = vector.shape_cast %get3A_132 : vector<1x16xf32> to vector<16xf32>
      %mul3A_134 = arith.constant 5 : i32
      %mul3A_135 = arith.muli %scan3A_14, %mul3A_134 : i32
      %add3A_136 = arith.constant 2 : i32
      %add3A_137 = arith.addi %mul3A_135, %add3A_136 : i32
      %get3A_138 = arith.index_cast %add3A_137 : i32 to index
      %get3A_139 = arith.constant 16 : index
      %get3A_140 = tpu.vector_load %arg8[%get3A_138, %get3A_139] {strides = array<i32>} : memref<320x64xf32, #tpu.memory_space<vmem>>, vector<1x16xf32>,
      %get3A_141 = vector.shape_cast %get3A_140 : vector<1x16xf32> to vector<16xf32>
      %mul3A_142 = arith.mulf %get3A_133, %get3A_141 : vector<16xf32>
      %add3A_143 = arith.addf %add3A_129, %mul3A_142 : vector<16xf32>
      %get3A_144 = arith.index_cast %scan3A_14 : i32 to index
      %get3A_145 = arith.constant 48 : index
      %get3A_146 = tpu.vector_load %arg10[%get3A_144, %get3A_145] {strides = array<i32>} : memref<64x80xf32, #tpu.memory_space<vmem>>, vector<1x16xf32>,
      %get3A_147 = vector.shape_cast %get3A_146 : vector<1x16xf32> to vector<16xf32>
      %mul3A_148 = arith.constant 5 : i32
      %mul3A_149 = arith.muli %scan3A_14, %mul3A_148 : i32
      %add3A_150 = arith.constant 3 : i32
      %add3A_151 = arith.addi %mul3A_149, %add3A_150 : i32
      %get3A_152 = arith.index_cast %add3A_151 : i32 to index
      %get3A_153 = arith.constant 16 : index
      %get3A_154 = tpu.vector_load %arg8[%get3A_152, %get3A_153] {strides = array<i32>} : memref<320x64xf32, #tpu.memory_space<vmem>>, vector<1x16xf32>,
      %get3A_155 = vector.shape_cast %get3A_154 : vector<1x16xf32> to vector<16xf32>
      %mul3A_156 = arith.mulf %get3A_147, %get3A_155 : vector<16xf32>
      %add3A_157 = arith.addf %add3A_143, %mul3A_156 : vector<16xf32>
      %get3A_158 = arith.index_cast %scan3A_14 : i32 to index
      %get3A_159 = arith.constant 64 : index
      %get3A_160 = tpu.vector_load %arg10[%get3A_158, %get3A_159] {strides = array<i32>} : memref<64x80xf32, #tpu.memory_space<vmem>>, vector<1x16xf32>,
      %get3A_161 = vector.shape_cast %get3A_160 : vector<1x16xf32> to vector<16xf32>
      %mul3A_162 = arith.constant 5 : i32
      %mul3A_163 = arith.muli %scan3A_14, %mul3A_162 : i32
      %add3A_164 = arith.constant 4 : i32
      %add3A_165 = arith.addi %mul3A_163, %add3A_164 : i32
      %get3A_166 = arith.index_cast %add3A_165 : i32 to index
      %get3A_167 = arith.constant 16 : index
      %get3A_168 = tpu.vector_load %arg8[%get3A_166, %get3A_167] {strides = array<i32>} : memref<320x64xf32, #tpu.memory_space<vmem>>, vector<1x16xf32>,
      %get3A_169 = vector.shape_cast %get3A_168 : vector<1x16xf32> to vector<16xf32>
      %mul3A_170 = arith.mulf %get3A_161, %get3A_169 : vector<16xf32>
      %add3A_171 = arith.addf %add3A_157, %mul3A_170 : vector<16xf32>
      %swap3A_172 = arith.index_cast %scan3A_14 : i32 to index
      %swap3A_173 = arith.constant 16 : index
      %swap3A_174 = tpu.vector_load %arg11[%swap3A_172, %swap3A_173] {strides = array<i32>} : memref<64x64xf32, #tpu.memory_space<vmem>>, vector<1x16xf32>,
      %swap3A_175 = vector.shape_cast %swap3A_174 : vector<1x16xf32> to vector<16xf32>
      %swap3A_176 = vector.shape_cast %add3A_171 : vector<16xf32> to vector<1x16xf32>
      tpu.vector_store %arg11[%swap3A_172, %swap3A_173], %swap3A_176 {strides = array<i32>} : memref<64x64xf32, #tpu.memory_space<vmem>>, vector<1x16xf32>,
      %get3A_177 = arith.index_cast %scan3A_14 : i32 to index
      %get3A_178 = arith.constant 32 : index
      %get3A_179 = tpu.vector_load %arg9[%get3A_177, %get3A_178] {strides = array<i32>} : memref<64x64xf32, #tpu.memory_space<vmem>>, vector<1x16xf32>,
      %get3A_180 = vector.shape_cast %get3A_179 : vector<1x16xf32> to vector<16xf32>
      %mul3A_181 = arith.constant 5.000000e-01 : f32
      %mul3A_182 = vector.broadcast %mul3A_181 : f32 to vector<16xf32>
      %mul3A_183 = arith.mulf %mul3A_182, %get3A_180 : vector<16xf32>
      %get3A_184 = arith.index_cast %scan3A_14 : i32 to index
      %get3A_185 = arith.constant 0 : index
      %get3A_186 = tpu.vector_load %arg10[%get3A_184, %get3A_185] {strides = array<i32>} : memref<64x80xf32, #tpu.memory_space<vmem>>, vector<1x16xf32>,
      %get3A_187 = vector.shape_cast %get3A_186 : vector<1x16xf32> to vector<16xf32>
      %mul3A_188 = arith.constant 5 : i32
      %mul3A_189 = arith.muli %scan3A_14, %mul3A_188 : i32
      %add3A_190 = arith.constant 0 : i32
      %add3A_191 = arith.addi %mul3A_189, %add3A_190 : i32
      %get3A_192 = arith.index_cast %add3A_191 : i32 to index
      %get3A_193 = arith.constant 32 : index
      %get3A_194 = tpu.vector_load %arg8[%get3A_192, %get3A_193] {strides = array<i32>} : memref<320x64xf32, #tpu.memory_space<vmem>>, vector<1x16xf32>,
      %get3A_195 = vector.shape_cast %get3A_194 : vector<1x16xf32> to vector<16xf32>
      %mul3A_196 = arith.mulf %get3A_187, %get3A_195 : vector<16xf32>
      %add3A_197 = arith.addf %mul3A_183, %mul3A_196 : vector<16xf32>
      %get3A_198 = arith.index_cast %scan3A_14 : i32 to index
      %get3A_199 = arith.constant 16 : index
      %get3A_200 = tpu.vector_load %arg10[%get3A_198, %get3A_199] {strides = array<i32>} : memref<64x80xf32, #tpu.memory_space<vmem>>, vector<1x16xf32>,
      %get3A_201 = vector.shape_cast %get3A_200 : vector<1x16xf32> to vector<16xf32>
      %mul3A_202 = arith.constant 5 : i32
      %mul3A_203 = arith.muli %scan3A_14, %mul3A_202 : i32
      %add3A_204 = arith.constant 1 : i32
      %add3A_205 = arith.addi %mul3A_203, %add3A_204 : i32
      %get3A_206 = arith.index_cast %add3A_205 : i32 to index
      %get3A_207 = arith.constant 32 : index
      %get3A_208 = tpu.vector_load %arg8[%get3A_206, %get3A_207] {strides = array<i32>} : memref<320x64xf32, #tpu.memory_space<vmem>>, vector<1x16xf32>,
      %get3A_209 = vector.shape_cast %get3A_208 : vector<1x16xf32> to vector<16xf32>
      %mul3A_210 = arith.mulf %get3A_201, %get3A_209 : vector<16xf32>
      %add3A_211 = arith.addf %add3A_197, %mul3A_210 : vector<16xf32>
      %get3A_212 = arith.index_cast %scan3A_14 : i32 to index
      %get3A_213 = arith.constant 32 : index
      %get3A_214 = tpu.vector_load %arg10[%get3A_212, %get3A_213] {strides = array<i32>} : memref<64x80xf32, #tpu.memory_space<vmem>>, vector<1x16xf32>,
      %get3A_215 = vector.shape_cast %get3A_214 : vector<1x16xf32> to vector<16xf32>
      %mul3A_216 = arith.constant 5 : i32
      %mul3A_217 = arith.muli %scan3A_14, %mul3A_216 : i32
      %add3A_218 = arith.constant 2 : i32
      %add3A_219 = arith.addi %mul3A_217, %add3A_218 : i32
      %get3A_220 = arith.index_cast %add3A_219 : i32 to index
      %get3A_221 = arith.constant 32 : index
      %get3A_222 = tpu.vector_load %arg8[%get3A_220, %get3A_221] {strides = array<i32>} : memref<320x64xf32, #tpu.memory_space<vmem>>, vector<1x16xf32>,
      %get3A_223 = vector.shape_cast %get3A_222 : vector<1x16xf32> to vector<16xf32>
      %mul3A_224 = arith.mulf %get3A_215, %get3A_223 : vector<16xf32>
      %add3A_225 = arith.addf %add3A_211, %mul3A_224 : vector<16xf32>
      %get3A_226 = arith.index_cast %scan3A_14 : i32 to index
      %get3A_227 = arith.constant 48 : index
      %get3A_228 = tpu.vector_load %arg10[%get3A_226, %get3A_227] {strides = array<i32>} : memref<64x80xf32, #tpu.memory_space<vmem>>, vector<1x16xf32>,
      %get3A_229 = vector.shape_cast %get3A_228 : vector<1x16xf32> to vector<16xf32>
      %mul3A_230 = arith.constant 5 : i32
      %mul3A_231 = arith.muli %scan3A_14, %mul3A_230 : i32
      %add3A_232 = arith.constant 3 : i32
      %add3A_233 = arith.addi %mul3A_231, %add3A_232 : i32
      %get3A_234 = arith.index_cast %add3A_233 : i32 to index
      %get3A_235 = arith.constant 32 : index
      %get3A_236 = tpu.vector_load %arg8[%get3A_234, %get3A_235] {strides = array<i32>} : memref<320x64xf32, #tpu.memory_space<vmem>>, vector<1x16xf32>,
      %get3A_237 = vector.shape_cast %get3A_236 : vector<1x16xf32> to vector<16xf32>
      %mul3A_238 = arith.mulf %get3A_229, %get3A_237 : vector<16xf32>
      %add3A_239 = arith.addf %add3A_225, %mul3A_238 : vector<16xf32>
      %get3A_240 = arith.index_cast %scan3A_14 : i32 to index
      %get3A_241 = arith.constant 64 : index
      %get3A_242 = tpu.vector_load %arg10[%get3A_240, %get3A_241] {strides = array<i32>} : memref<64x80xf32, #tpu.memory_space<vmem>>, vector<1x16xf32>,
      %get3A_243 = vector.shape_cast %get3A_242 : vector<1x16xf32> to vector<16xf32>
      %mul3A_244 = arith.constant 5 : i32
      %mul3A_245 = arith.muli %scan3A_14, %mul3A_244 : i32
      %add3A_246 = arith.constant 4 : i32
      %add3A_247 = arith.addi %mul3A_245, %add3A_246 : i32
      %get3A_248 = arith.index_cast %add3A_247 : i32 to index
      %get3A_249 = arith.constant 32 : index
      %get3A_250 = tpu.vector_load %arg8[%get3A_248, %get3A_249] {strides = array<i32>} : memref<320x64xf32, #tpu.memory_space<vmem>>, vector<1x16xf32>,
      %get3A_251 = vector.shape_cast %get3A_250 : vector<1x16xf32> to vector<16xf32>
      %mul3A_252 = arith.mulf %get3A_243, %get3A_251 : vector<16xf32>
      %add3A_253 = arith.addf %add3A_239, %mul3A_252 : vector<16xf32>
      %swap3A_254 = arith.index_cast %scan3A_14 : i32 to index
      %swap3A_255 = arith.constant 32 : index
      %swap3A_256 = tpu.vector_load %arg11[%swap3A_254, %swap3A_255] {strides = array<i32>} : memref<64x64xf32, #tpu.memory_space<vmem>>, vector<1x16xf32>,
      %swap3A_257 = vector.shape_cast %swap3A_256 : vector<1x16xf32> to vector<16xf32>
      %swap3A_258 = vector.shape_cast %add3A_253 : vector<16xf32> to vector<1x16xf32>
      tpu.vector_store %arg11[%swap3A_254, %swap3A_255], %swap3A_258 {strides = array<i32>} : memref<64x64xf32, #tpu.memory_space<vmem>>, vector<1x16xf32>,
      %get3A_259 = arith.index_cast %scan3A_14 : i32 to index
      %get3A_260 = arith.constant 48 : index
      %get3A_261 = tpu.vector_load %arg9[%get3A_259, %get3A_260] {strides = array<i32>} : memref<64x64xf32, #tpu.memory_space<vmem>>, vector<1x16xf32>,
      %get3A_262 = vector.shape_cast %get3A_261 : vector<1x16xf32> to vector<16xf32>
      %mul3A_263 = arith.constant 5.000000e-01 : f32
      %mul3A_264 = vector.broadcast %mul3A_263 : f32 to vector<16xf32>
      %mul3A_265 = arith.mulf %mul3A_264, %get3A_262 : vector<16xf32>
      %get3A_266 = arith.index_cast %scan3A_14 : i32 to index
      %get3A_267 = arith.constant 0 : index
      %get3A_268 = tpu.vector_load %arg10[%get3A_266, %get3A_267] {strides = array<i32>} : memref<64x80xf32, #tpu.memory_space<vmem>>, vector<1x16xf32>,
      %get3A_269 = vector.shape_cast %get3A_268 : vector<1x16xf32> to vector<16xf32>
      %mul3A_270 = arith.constant 5 : i32
      %mul3A_271 = arith.muli %scan3A_14, %mul3A_270 : i32
      %add3A_272 = arith.constant 0 : i32
      %add3A_273 = arith.addi %mul3A_271, %add3A_272 : i32
      %get3A_274 = arith.index_cast %add3A_273 : i32 to index
      %get3A_275 = arith.constant 48 : index
      %get3A_276 = tpu.vector_load %arg8[%get3A_274, %get3A_275] {strides = array<i32>} : memref<320x64xf32, #tpu.memory_space<vmem>>, vector<1x16xf32>,
      %get3A_277 = vector.shape_cast %get3A_276 : vector<1x16xf32> to vector<16xf32>
      %mul3A_278 = arith.mulf %get3A_269, %get3A_277 : vector<16xf32>
      %add3A_279 = arith.addf %mul3A_265, %mul3A_278 : vector<16xf32>
      %get3A_280 = arith.index_cast %scan3A_14 : i32 to index
      %get3A_281 = arith.constant 16 : index
      %get3A_282 = tpu.vector_load %arg10[%get3A_280, %get3A_281] {strides = array<i32>} : memref<64x80xf32, #tpu.memory_space<vmem>>, vector<1x16xf32>,
      %get3A_283 = vector.shape_cast %get3A_282 : vector<1x16xf32> to vector<16xf32>
      %mul3A_284 = arith.constant 5 : i32
      %mul3A_285 = arith.muli %scan3A_14, %mul3A_284 : i32
      %add3A_286 = arith.constant 1 : i32
      %add3A_287 = arith.addi %mul3A_285, %add3A_286 : i32
      %get3A_288 = arith.index_cast %add3A_287 : i32 to index
      %get3A_289 = arith.constant 48 : index
      %get3A_290 = tpu.vector_load %arg8[%get3A_288, %get3A_289] {strides = array<i32>} : memref<320x64xf32, #tpu.memory_space<vmem>>, vector<1x16xf32>,
      %get3A_291 = vector.shape_cast %get3A_290 : vector<1x16xf32> to vector<16xf32>
      %mul3A_292 = arith.mulf %get3A_283, %get3A_291 : vector<16xf32>
      %add3A_293 = arith.addf %add3A_279, %mul3A_292 : vector<16xf32>
      %get3A_294 = arith.index_cast %scan3A_14 : i32 to index
      %get3A_295 = arith.constant 32 : index
      %get3A_296 = tpu.vector_load %arg10[%get3A_294, %get3A_295] {strides = array<i32>} : memref<64x80xf32, #tpu.memory_space<vmem>>, vector<1x16xf32>,
      %get3A_297 = vector.shape_cast %get3A_296 : vector<1x16xf32> to vector<16xf32>
      %mul3A_298 = arith.constant 5 : i32
      %mul3A_299 = arith.muli %scan3A_14, %mul3A_298 : i32
      %add3A_300 = arith.constant 2 : i32
      %add3A_301 = arith.addi %mul3A_299, %add3A_300 : i32
      %get3A_302 = arith.index_cast %add3A_301 : i32 to index
      %get3A_303 = arith.constant 48 : index
      %get3A_304 = tpu.vector_load %arg8[%get3A_302, %get3A_303] {strides = array<i32>} : memref<320x64xf32, #tpu.memory_space<vmem>>, vector<1x16xf32>,
      %get3A_305 = vector.shape_cast %get3A_304 : vector<1x16xf32> to vector<16xf32>
      %mul3A_306 = arith.mulf %get3A_297, %get3A_305 : vector<16xf32>
      %add3A_307 = arith.addf %add3A_293, %mul3A_306 : vector<16xf32>
      %get3A_308 = arith.index_cast %scan3A_14 : i32 to index
      %get3A_309 = arith.constant 48 : index
      %get3A_310 = tpu.vector_load %arg10[%get3A_308, %get3A_309] {strides = array<i32>} : memref<64x80xf32, #tpu.memory_space<vmem>>, vector<1x16xf32>,
      %get3A_311 = vector.shape_cast %get3A_310 : vector<1x16xf32> to vector<16xf32>
      %mul3A_312 = arith.constant 5 : i32
      %mul3A_313 = arith.muli %scan3A_14, %mul3A_312 : i32
      %add3A_314 = arith.constant 3 : i32
      %add3A_315 = arith.addi %mul3A_313, %add3A_314 : i32
      %get3A_316 = arith.index_cast %add3A_315 : i32 to index
      %get3A_317 = arith.constant 48 : index
      %get3A_318 = tpu.vector_load %arg8[%get3A_316, %get3A_317] {strides = array<i32>} : memref<320x64xf32, #tpu.memory_space<vmem>>, vector<1x16xf32>,
      %get3A_319 = vector.shape_cast %get3A_318 : vector<1x16xf32> to vector<16xf32>
      %mul3A_320 = arith.mulf %get3A_311, %get3A_319 : vector<16xf32>
      %add3A_321 = arith.addf %add3A_307, %mul3A_320 : vector<16xf32>
      %get3A_322 = arith.index_cast %scan3A_14 : i32 to index
      %get3A_323 = arith.constant 64 : index
      %get3A_324 = tpu.vector_load %arg10[%get3A_322, %get3A_323] {strides = array<i32>} : memref<64x80xf32, #tpu.memory_space<vmem>>, vector<1x16xf32>,
      %get3A_325 = vector.shape_cast %get3A_324 : vector<1x16xf32> to vector<16xf32>
      %mul3A_326 = arith.constant 5 : i32
      %mul3A_327 = arith.muli %scan3A_14, %mul3A_326 : i32
      %add3A_328 = arith.constant 4 : i32
      %add3A_329 = arith.addi %mul3A_327, %add3A_328 : i32
      %get3A_330 = arith.index_cast %add3A_329 : i32 to index
      %get3A_331 = arith.constant 48 : index
      %get3A_332 = tpu.vector_load %arg8[%get3A_330, %get3A_331] {strides = array<i32>} : memref<320x64xf32, #tpu.memory_space<vmem>>, vector<1x16xf32>,
      %get3A_333 = vector.shape_cast %get3A_332 : vector<1x16xf32> to vector<16xf32>
      %mul3A_334 = arith.mulf %get3A_325, %get3A_333 : vector<16xf32>
      %add3A_335 = arith.addf %add3A_321, %mul3A_334 : vector<16xf32>
      %swap3A_336 = arith.index_cast %scan3A_14 : i32 to index
      %swap3A_337 = arith.constant 48 : index
      %swap3A_338 = tpu.vector_load %arg11[%swap3A_336, %swap3A_337] {strides = array<i32>} : memref<64x64xf32, #tpu.memory_space<vmem>>, vector<1x16xf32>,
      %swap3A_339 = vector.shape_cast %swap3A_338 : vector<1x16xf32> to vector<16xf32>
      %swap3A_340 = vector.shape_cast %add3A_335 : vector<16xf32> to vector<1x16xf32>
      tpu.vector_store %arg11[%swap3A_336, %swap3A_337], %swap3A_340 {strides = array<i32>} : memref<64x64xf32, #tpu.memory_space<vmem>>, vector<1x16xf32>,
    }
    %scan3A_13 = arith.constant 64 : i32
    "tpu.region"() ({
      %run_scoped3A = tpu.sem_alloc : memref<!tpu.dma_semaphore, #tpu.memory_space<semaphore_mem>>
      %dma_start3A_14 = arith.constant 0 : i32
      %dma_start3A_15 = tpu.memref_slice %arg6[%mul3A_4, %dma_start3A_14] : memref<2048x64xf32, #tpu.memory_space<hbm>> -> memref<64x64xf32, #tpu.memory_space<hbm>>
      %dma_start3A_16 = arith.constant 0 : i32
      %dma_start3A_17 = tpu.memref_slice %arg6[%mul3A_4, %dma_start3A_16] : memref<2048x64xf32, #tpu.memory_space<hbm>> -> memref<64x64xf32, #tpu.memory_space<hbm>>
      tpu.enqueue_dma source(%arg11 : memref<64x64xf32, #tpu.memory_space<vmem>>) target(%dma_start3A_17 : memref<64x64xf32, #tpu.memory_space<hbm>>) target_semaphore(%run_scoped3A : memref<!tpu.dma_semaphore, #tpu.memory_space<semaphore_mem>>)
      %dma_wait3A_18 = arith.constant 0 : i32
      %dma_wait3A_19 = tpu.memref_slice %arg6[%mul3A_4, %dma_wait3A_18] : memref<2048x64xf32, #tpu.memory_space<hbm>> -> memref<64x64xf32, #tpu.memory_space<hbm>>
      %dma_wait3A_20 = arith.constant 0 : i32
      %dma_wait3A_21 = tpu.memref_slice %arg6[%mul3A_4, %dma_wait3A_20] : memref<2048x64xf32, #tpu.memory_space<hbm>> -> memref<64x64xf32, #tpu.memory_space<hbm>>
      tpu.wait_dma2 semaphore(%run_scoped3A : memref<!tpu.dma_semaphore, #tpu.memory_space<semaphore_mem>>) src(%arg11 : memref<64x64xf32, #tpu.memory_space<vmem>>) dst(%dma_wait3A_21 : memref<64x64xf32, #tpu.memory_space<hbm>>)
      tpu.yield
    }) : () -> ()
    return
  }
}

module attributes {stable_mosaic.version = 14 : i64} {
  func.func @_topk_kernel(%arg0: i32, %arg1: memref<2048x64xf32, #tpu.memory_space<vmem>>, %arg2: memref<4096x64xf32, #tpu.memory_space<vmem>>, %arg3: memref<2048x5xf32, #tpu.memory_space<vmem>>, %arg4: memref<2048x5xi32, #tpu.memory_space<vmem>>, %arg5: memref<2048x128xf32, #tpu.memory_space<vmem>>, %arg6: memref<2048x5xf32, #tpu.memory_space<vmem>>, %arg7: memref<2048x5xi32, #tpu.memory_space<vmem>>, %arg8: memref<2048x128xi32, #tpu.memory_space<vmem>>, %arg9: memref<2048x128xi32, #tpu.memory_space<vmem>>) attributes {dimension_semantics = [#tpu.dimension_semantics<arbitrary>], iteration_bounds = array<i64: 25>, scalar_prefetch = 0 : i64, scratch_operands = 5 : i64, tpu.core_type = #tpu.core_type<tc>, window_params = [{pipeline_mode = #tpu.pipeline_mode<synchronous>, transform_indices = @transform_0, window_bounds = array<i64: 2048, 64>}, {transform_indices = @transform_1, window_bounds = array<i64: 4096, 64>}, {pipeline_mode = #tpu.pipeline_mode<synchronous>, transform_indices = @transform_2, window_bounds = array<i64: 2048, 5>}, {pipeline_mode = #tpu.pipeline_mode<synchronous>, transform_indices = @transform_3, window_bounds = array<i64: 2048, 5>}]} {
    %eq3A = arith.constant 0 : i32
    %eq3A_0 = arith.cmpi eq, %arg0, %eq3A : i32
    %convert_element_type3A = arith.extui %eq3A_0 : i1 to i32
    %cond3A = arith.constant 0 : i32
    %cond3A_1 = arith.cmpi ne, %convert_element_type3A, %cond3A : i32
    scf.if %cond3A_1 {
      %get3A_566 = arith.constant 0 : index
      %get3A_567 = arith.constant 0 : index
      %get3A_568 = vector.load %arg1[%get3A_566, %get3A_567] : memref<2048x64xf32, #tpu.memory_space<vmem>>, vector<2048x64xf32>
      %mul3A_569 = arith.mulf %get3A_568, %get3A_568 : vector<2048x64xf32>
      %reduce_sum3A_570 = arith.constant dense<0.000000e+00> : vector<2048xf32>
      %reduce_sum3A_571 = vector.multi_reduction <add>, %mul3A_569, %reduce_sum3A_570 [1] : vector<2048x64xf32> to vector<2048xf32>
      %broadcast_in_dim3A_572 = vector.shape_cast %reduce_sum3A_571 : vector<2048xf32> to vector<2048x1xf32>
      %sqrt3A_573 = math.sqrt %broadcast_in_dim3A_572 : vector<2048x1xf32>
      %max3A_574 = arith.constant 9.99999996E-13 : f32
      %max3A_575 = vector.broadcast %max3A_574 : f32 to vector<2048x1xf32>
      %max3A_576 = arith.maximumf %sqrt3A_573, %max3A_575 : vector<2048x1xf32>
      %div3A_577 = arith.constant 1.000000e+00 : f32
      %div3A_578 = vector.broadcast %div3A_577 : f32 to vector<2048x1xf32>
      %div3A_579 = arith.divf %div3A_578, %max3A_576 : vector<2048x1xf32>
      %mul3A_580 = vector.broadcast %div3A_579 : vector<2048x1xf32> to vector<2048x64xf32>
      %mul3A_581 = arith.mulf %get3A_568, %mul3A_580 : vector<2048x64xf32>
      %iota3A_582 = tpu.iota {dimensions = array<i32: 1>} : vector<2048x64xi32>
      %eq3A_583 = arith.constant 0 : i32
      %eq3A_584 = vector.broadcast %eq3A_583 : i32 to vector<2048x64xi32>
      %eq3A_585 = arith.cmpi eq, %iota3A_582, %eq3A_584 : vector<2048x64xi32>
      %jit3A_586 = arith.constant 2.500000e+00 : f32
      %jit3A_587 = arith.constant 0.000000e+00 : f32
      %broadcast_in_dim3A_588 = vector.broadcast %jit3A_586 : f32 to vector<2048x64xf32>
      %broadcast_in_dim3A_589 = vector.broadcast %jit3A_587 : f32 to vector<2048x64xf32>
      %select_n3A_590 = arith.select %eq3A_585, %broadcast_in_dim3A_588, %broadcast_in_dim3A_589 : vector<2048x64xi1>, vector<2048x64xf32>
      %concatenate3A_591 = tpu.concatenate %mul3A_581, %select_n3A_590 in 1 : vector<2048x64xf32>, vector<2048x64xf32> -> vector<2048x128xf32>
      %swap3A_592 = arith.constant 0 : index
      %swap3A_593 = arith.constant 0 : index
      %swap3A_594 = vector.load %arg5[%swap3A_592, %swap3A_593] : memref<2048x128xf32, #tpu.memory_space<vmem>>, vector<2048x128xf32>
      tpu.vector_store %arg5[%swap3A_592, %swap3A_593], %concatenate3A_591 {strides = array<i32>} : memref<2048x128xf32, #tpu.memory_space<vmem>>, vector<2048x128xf32>,
      %broadcast_in_dim3A_595 = arith.constant 0.000000e+00 : f32
      %broadcast_in_dim3A_596 = vector.broadcast %broadcast_in_dim3A_595 : f32 to vector<2048x5xf32>
      %swap3A_597 = arith.constant 0 : index
      %swap3A_598 = arith.constant 0 : index
      %swap3A_599 = vector.load %arg6[%swap3A_597, %swap3A_598] : memref<2048x5xf32, #tpu.memory_space<vmem>>, vector<2048x5xf32>
      tpu.vector_store %arg6[%swap3A_597, %swap3A_598], %broadcast_in_dim3A_596 {strides = array<i32>} : memref<2048x5xf32, #tpu.memory_space<vmem>>, vector<2048x5xf32>,
      %broadcast_in_dim3A_600 = arith.constant 2147483647 : i32
      %broadcast_in_dim3A_601 = vector.broadcast %broadcast_in_dim3A_600 : i32 to vector<2048x5xi32>
      %swap3A_602 = arith.constant 0 : index
      %swap3A_603 = arith.constant 0 : index
      %swap3A_604 = vector.load %arg7[%swap3A_602, %swap3A_603] : memref<2048x5xi32, #tpu.memory_space<vmem>>, vector<2048x5xi32>
      tpu.vector_store %arg7[%swap3A_602, %swap3A_603], %broadcast_in_dim3A_601 {strides = array<i32>} : memref<2048x5xi32, #tpu.memory_space<vmem>>, vector<2048x5xi32>,
    } else {
    }
    %get3A = arith.constant 0 : index
    %get3A_2 = arith.constant 0 : index
    %get3A_3 = vector.load %arg2[%get3A, %get3A_2] : memref<4096x64xf32, #tpu.memory_space<vmem>>, vector<4096x64xf32>
    %iota3A = tpu.iota {dimensions = array<i32: 0>} : vector<4096x64xi32>
    %mul3A = arith.constant 4096 : i32
    %mul3A_4 = arith.muli %arg0, %mul3A : i32
    %sub3A = arith.constant 100000 : i32
    %sub3A_5 = arith.subi %sub3A, %mul3A_4 : i32
    %lt3A = vector.broadcast %sub3A_5 : i32 to vector<4096x64xi32>
    %lt3A_6 = arith.cmpi slt, %iota3A, %lt3A : vector<4096x64xi32>
    %jit3A = arith.constant 0.000000e+00 : f32
    %broadcast_in_dim3A = vector.broadcast %jit3A : f32 to vector<4096x64xf32>
    %select_n3A = arith.select %lt3A_6, %get3A_3, %broadcast_in_dim3A : vector<4096x64xi1>, vector<4096x64xf32>
    %mul3A_7 = arith.mulf %select_n3A, %select_n3A : vector<4096x64xf32>
    %reduce_sum3A = arith.constant dense<0.000000e+00> : vector<4096xf32>
    %reduce_sum3A_8 = vector.multi_reduction <add>, %mul3A_7, %reduce_sum3A [1] : vector<4096x64xf32> to vector<4096xf32>
    %broadcast_in_dim3A_9 = vector.shape_cast %reduce_sum3A_8 : vector<4096xf32> to vector<4096x1xf32>
    %sqrt3A = math.sqrt %broadcast_in_dim3A_9 : vector<4096x1xf32>
    %max3A = arith.constant 9.99999996E-13 : f32
    %max3A_10 = vector.broadcast %max3A : f32 to vector<4096x1xf32>
    %max3A_11 = arith.maximumf %sqrt3A, %max3A_10 : vector<4096x1xf32>
    %div3A = arith.constant 1.000000e+00 : f32
    %div3A_12 = vector.broadcast %div3A : f32 to vector<4096x1xf32>
    %div3A_13 = arith.divf %div3A_12, %max3A_11 : vector<4096x1xf32>
    %mul3A_14 = vector.broadcast %div3A_13 : vector<4096x1xf32> to vector<4096x64xf32>
    %mul3A_15 = arith.mulf %select_n3A, %mul3A_14 : vector<4096x64xf32>
    %iota3A_16 = tpu.iota {dimensions = array<i32: 1>} : vector<4096x64xi32>
    %eq3A_17 = arith.constant 0 : i32
    %eq3A_18 = vector.broadcast %eq3A_17 : i32 to vector<4096x64xi32>
    %eq3A_19 = arith.cmpi eq, %iota3A_16, %eq3A_18 : vector<4096x64xi32>
    %jit3A_20 = arith.constant 1.000000e+00 : f32
    %jit3A_21 = arith.constant 0.000000e+00 : f32
    %broadcast_in_dim3A_22 = vector.broadcast %jit3A_20 : f32 to vector<4096x64xf32>
    %broadcast_in_dim3A_23 = vector.broadcast %jit3A_21 : f32 to vector<4096x64xf32>
    %select_n3A_24 = arith.select %eq3A_19, %broadcast_in_dim3A_22, %broadcast_in_dim3A_23 : vector<4096x64xi1>, vector<4096x64xf32>
    %concatenate3A = tpu.concatenate %mul3A_15, %select_n3A_24 in 1 : vector<4096x64xf32>, vector<4096x64xf32> -> vector<4096x128xf32>
    %get3A_25 = arith.constant 0 : index
    %get3A_26 = arith.constant 0 : index
    %get3A_27 = vector.load %arg5[%get3A_25, %get3A_26] : memref<2048x128xf32, #tpu.memory_space<vmem>>, vector<2048x128xf32>
    %and3A = arith.constant 7 : i32
    %and3A_28 = arith.andi %arg0, %and3A : i32
    %broadcast_in_dim3A_29 = arith.constant -2147483648 : i32
    %broadcast_in_dim3A_30 = vector.broadcast %broadcast_in_dim3A_29 : i32 to vector<2048x128xi32>
    %eq3A_31 = arith.constant 0 : i32
    %eq3A_32 = arith.cmpi eq, %and3A_28, %eq3A_31 : i32
    %get3A_33 = arith.constant 0 : index
    %get3A_34 = arith.constant 0 : index
    %get3A_35 = vector.load %arg8[%get3A_33, %get3A_34] : memref<2048x128xi32, #tpu.memory_space<vmem>>, vector<2048x128xi32>
    %select_n3A_36 = arith.select %eq3A_32, %broadcast_in_dim3A_30, %get3A_35 : vector<2048x128xi32>
    %eq3A_37 = arith.constant 0 : i32
    %eq3A_38 = arith.cmpi eq, %and3A_28, %eq3A_37 : i32
    %get3A_39 = arith.constant 0 : index
    %get3A_40 = arith.constant 0 : index
    %get3A_41 = vector.load %arg9[%get3A_39, %get3A_40] : memref<2048x128xi32, #tpu.memory_space<vmem>>, vector<2048x128xi32>
    %select_n3A_42 = arith.select %eq3A_38, %broadcast_in_dim3A_30, %get3A_41 : vector<2048x128xi32>
    %slice3A = vector.extract_strided_slice %concatenate3A {offsets = [0, 0], sizes = [512, 128], strides = [1, 1]} : vector<4096x128xf32> to vector<512x128xf32>
    %dot_general3A = arith.constant dense<0.000000e+00> : vector<2048x512xf32>
    %dot_general3A_43 = tpu.matmul %get3A_27, %slice3A, %dot_general3A {dimension_numbers = #tpu.dot_dimension_numbers<[1], [1], [0], [0], [0, 0, 1, 0], [], []>, transpose_lhs_hint = false} : vector<2048x128xf32>, vector<512x128xf32>, vector<2048x512xf32> -> vector<2048x512xf32>
    %bitcast_convert_type3A = tpu.bitcast %dot_general3A_43 : vector<2048x512xf32> -> vector<2048x512xi32>
    %sub3A_44 = arith.constant 7 : i32
    %sub3A_45 = arith.subi %sub3A_44, %and3A_28 : i32
    %mul3A_46 = arith.constant 8 : i32
    %mul3A_47 = arith.muli %sub3A_45, %mul3A_46 : i32
    %add3A = arith.constant 7 : i32
    %add3A_48 = arith.addi %mul3A_47, %add3A : i32
    %slice3A_49 = vector.extract_strided_slice %bitcast_convert_type3A {offsets = [0, 0], sizes = [2048, 128], strides = [1, 1]} : vector<2048x512xi32> to vector<2048x128xi32>
    %shift_left3A = arith.constant 8 : i32
    %shift_left3A_50 = vector.broadcast %shift_left3A : i32 to vector<2048x128xi32>
    %shift_left3A_51 = arith.shli %slice3A_49, %shift_left3A_50 : vector<2048x128xi32>
    %mul3A_52 = arith.constant 4 : i32
    %mul3A_53 = arith.muli %mul3A_52, %add3A_48 : i32
    %add3A_54 = arith.constant 3 : i32
    %add3A_55 = arith.addi %mul3A_53, %add3A_54 : i32
    %sub3A_56 = arith.constant 0 : i32
    %sub3A_57 = arith.subi %add3A_55, %sub3A_56 : i32
    %add3A_58 = vector.broadcast %sub3A_57 : i32 to vector<2048x128xi32>
    %add3A_59 = arith.addi %shift_left3A_51, %add3A_58 : vector<2048x128xi32>
    %slice3A_60 = vector.extract_strided_slice %bitcast_convert_type3A {offsets = [0, 128], sizes = [2048, 128], strides = [1, 1]} : vector<2048x512xi32> to vector<2048x128xi32>
    %shift_left3A_61 = arith.constant 8 : i32
    %shift_left3A_62 = vector.broadcast %shift_left3A_61 : i32 to vector<2048x128xi32>
    %shift_left3A_63 = arith.shli %slice3A_60, %shift_left3A_62 : vector<2048x128xi32>
    %mul3A_64 = arith.constant 4 : i32
    %mul3A_65 = arith.muli %mul3A_64, %add3A_48 : i32
    %add3A_66 = arith.constant 3 : i32
    %add3A_67 = arith.addi %mul3A_65, %add3A_66 : i32
    %sub3A_68 = arith.constant 1 : i32
    %sub3A_69 = arith.subi %add3A_67, %sub3A_68 : i32
    %add3A_70 = vector.broadcast %sub3A_69 : i32 to vector<2048x128xi32>
    %add3A_71 = arith.addi %shift_left3A_63, %add3A_70 : vector<2048x128xi32>
    %slice3A_72 = vector.extract_strided_slice %bitcast_convert_type3A {offsets = [0, 256], sizes = [2048, 128], strides = [1, 1]} : vector<2048x512xi32> to vector<2048x128xi32>
    %shift_left3A_73 = arith.constant 8 : i32
    %shift_left3A_74 = vector.broadcast %shift_left3A_73 : i32 to vector<2048x128xi32>
    %shift_left3A_75 = arith.shli %slice3A_72, %shift_left3A_74 : vector<2048x128xi32>
    %mul3A_76 = arith.constant 4 : i32
    %mul3A_77 = arith.muli %mul3A_76, %add3A_48 : i32
    %add3A_78 = arith.constant 3 : i32
    %add3A_79 = arith.addi %mul3A_77, %add3A_78 : i32
    %sub3A_80 = arith.constant 2 : i32
    %sub3A_81 = arith.subi %add3A_79, %sub3A_80 : i32
    %add3A_82 = vector.broadcast %sub3A_81 : i32 to vector<2048x128xi32>
    %add3A_83 = arith.addi %shift_left3A_75, %add3A_82 : vector<2048x128xi32>
    %slice3A_84 = vector.extract_strided_slice %bitcast_convert_type3A {offsets = [0, 384], sizes = [2048, 128], strides = [1, 1]} : vector<2048x512xi32> to vector<2048x128xi32>
    %shift_left3A_85 = arith.constant 8 : i32
    %shift_left3A_86 = vector.broadcast %shift_left3A_85 : i32 to vector<2048x128xi32>
    %shift_left3A_87 = arith.shli %slice3A_84, %shift_left3A_86 : vector<2048x128xi32>
    %mul3A_88 = arith.constant 4 : i32
    %mul3A_89 = arith.muli %mul3A_88, %add3A_48 : i32
    %add3A_90 = arith.constant 3 : i32
    %add3A_91 = arith.addi %mul3A_89, %add3A_90 : i32
    %sub3A_92 = arith.constant 3 : i32
    %sub3A_93 = arith.subi %add3A_91, %sub3A_92 : i32
    %add3A_94 = vector.broadcast %sub3A_93 : i32 to vector<2048x128xi32>
    %add3A_95 = arith.addi %shift_left3A_87, %add3A_94 : vector<2048x128xi32>
    %max3A_96 = arith.maxsi %add3A_59, %add3A_71 : vector<2048x128xi32>
    %max3A_97 = arith.maxsi %add3A_83, %add3A_95 : vector<2048x128xi32>
    %max3A_98 = arith.maxsi %max3A_96, %max3A_97 : vector<2048x128xi32>
    %min3A = arith.minsi %max3A_98, %select_n3A_36 : vector<2048x128xi32>
    %max3A_99 = arith.maxsi %select_n3A_42, %min3A : vector<2048x128xi32>
    %max3A_100 = arith.maxsi %select_n3A_36, %max3A_98 : vector<2048x128xi32>
    %slice3A_101 = vector.extract_strided_slice %concatenate3A {offsets = [512, 0], sizes = [512, 128], strides = [1, 1]} : vector<4096x128xf32> to vector<512x128xf32>
    %dot_general3A_102 = arith.constant dense<0.000000e+00> : vector<2048x512xf32>
    %dot_general3A_103 = tpu.matmul %get3A_27, %slice3A_101, %dot_general3A_102 {dimension_numbers = #tpu.dot_dimension_numbers<[1], [1], [0], [0], [0, 0, 1, 0], [], []>, transpose_lhs_hint = false} : vector<2048x128xf32>, vector<512x128xf32>, vector<2048x512xf32> -> vector<2048x512xf32>
    %bitcast_convert_type3A_104 = tpu.bitcast %dot_general3A_103 : vector<2048x512xf32> -> vector<2048x512xi32>
    %sub3A_105 = arith.constant 7 : i32
    %sub3A_106 = arith.subi %sub3A_105, %and3A_28 : i32
    %mul3A_107 = arith.constant 8 : i32
    %mul3A_108 = arith.muli %sub3A_106, %mul3A_107 : i32
    %add3A_109 = arith.constant 6 : i32
    %add3A_110 = arith.addi %mul3A_108, %add3A_109 : i32
    %slice3A_111 = vector.extract_strided_slice %bitcast_convert_type3A_104 {offsets = [0, 0], sizes = [2048, 128], strides = [1, 1]} : vector<2048x512xi32> to vector<2048x128xi32>
    %shift_left3A_112 = arith.constant 8 : i32
    %shift_left3A_113 = vector.broadcast %shift_left3A_112 : i32 to vector<2048x128xi32>
    %shift_left3A_114 = arith.shli %slice3A_111, %shift_left3A_113 : vector<2048x128xi32>
    %mul3A_115 = arith.constant 4 : i32
    %mul3A_116 = arith.muli %mul3A_115, %add3A_110 : i32
    %add3A_117 = arith.constant 3 : i32
    %add3A_118 = arith.addi %mul3A_116, %add3A_117 : i32
    %sub3A_119 = arith.constant 0 : i32
    %sub3A_120 = arith.subi %add3A_118, %sub3A_119 : i32
    %add3A_121 = vector.broadcast %sub3A_120 : i32 to vector<2048x128xi32>
    %add3A_122 = arith.addi %shift_left3A_114, %add3A_121 : vector<2048x128xi32>
    %slice3A_123 = vector.extract_strided_slice %bitcast_convert_type3A_104 {offsets = [0, 128], sizes = [2048, 128], strides = [1, 1]} : vector<2048x512xi32> to vector<2048x128xi32>
    %shift_left3A_124 = arith.constant 8 : i32
    %shift_left3A_125 = vector.broadcast %shift_left3A_124 : i32 to vector<2048x128xi32>
    %shift_left3A_126 = arith.shli %slice3A_123, %shift_left3A_125 : vector<2048x128xi32>
    %mul3A_127 = arith.constant 4 : i32
    %mul3A_128 = arith.muli %mul3A_127, %add3A_110 : i32
    %add3A_129 = arith.constant 3 : i32
    %add3A_130 = arith.addi %mul3A_128, %add3A_129 : i32
    %sub3A_131 = arith.constant 1 : i32
    %sub3A_132 = arith.subi %add3A_130, %sub3A_131 : i32
    %add3A_133 = vector.broadcast %sub3A_132 : i32 to vector<2048x128xi32>
    %add3A_134 = arith.addi %shift_left3A_126, %add3A_133 : vector<2048x128xi32>
    %slice3A_135 = vector.extract_strided_slice %bitcast_convert_type3A_104 {offsets = [0, 256], sizes = [2048, 128], strides = [1, 1]} : vector<2048x512xi32> to vector<2048x128xi32>
    %shift_left3A_136 = arith.constant 8 : i32
    %shift_left3A_137 = vector.broadcast %shift_left3A_136 : i32 to vector<2048x128xi32>
    %shift_left3A_138 = arith.shli %slice3A_135, %shift_left3A_137 : vector<2048x128xi32>
    %mul3A_139 = arith.constant 4 : i32
    %mul3A_140 = arith.muli %mul3A_139, %add3A_110 : i32
    %add3A_141 = arith.constant 3 : i32
    %add3A_142 = arith.addi %mul3A_140, %add3A_141 : i32
    %sub3A_143 = arith.constant 2 : i32
    %sub3A_144 = arith.subi %add3A_142, %sub3A_143 : i32
    %add3A_145 = vector.broadcast %sub3A_144 : i32 to vector<2048x128xi32>
    %add3A_146 = arith.addi %shift_left3A_138, %add3A_145 : vector<2048x128xi32>
    %slice3A_147 = vector.extract_strided_slice %bitcast_convert_type3A_104 {offsets = [0, 384], sizes = [2048, 128], strides = [1, 1]} : vector<2048x512xi32> to vector<2048x128xi32>
    %shift_left3A_148 = arith.constant 8 : i32
    %shift_left3A_149 = vector.broadcast %shift_left3A_148 : i32 to vector<2048x128xi32>
    %shift_left3A_150 = arith.shli %slice3A_147, %shift_left3A_149 : vector<2048x128xi32>
    %mul3A_151 = arith.constant 4 : i32
    %mul3A_152 = arith.muli %mul3A_151, %add3A_110 : i32
    %add3A_153 = arith.constant 3 : i32
    %add3A_154 = arith.addi %mul3A_152, %add3A_153 : i32
    %sub3A_155 = arith.constant 3 : i32
    %sub3A_156 = arith.subi %add3A_154, %sub3A_155 : i32
    %add3A_157 = vector.broadcast %sub3A_156 : i32 to vector<2048x128xi32>
    %add3A_158 = arith.addi %shift_left3A_150, %add3A_157 : vector<2048x128xi32>
    %max3A_159 = arith.maxsi %add3A_122, %add3A_134 : vector<2048x128xi32>
    %max3A_160 = arith.maxsi %add3A_146, %add3A_158 : vector<2048x128xi32>
    %max3A_161 = arith.maxsi %max3A_159, %max3A_160 : vector<2048x128xi32>
    %min3A_162 = arith.minsi %max3A_161, %max3A_100 : vector<2048x128xi32>
    %max3A_163 = arith.maxsi %max3A_99, %min3A_162 : vector<2048x128xi32>
    %max3A_164 = arith.maxsi %max3A_100, %max3A_161 : vector<2048x128xi32>
    %slice3A_165 = vector.extract_strided_slice %concatenate3A {offsets = [1024, 0], sizes = [512, 128], strides = [1, 1]} : vector<4096x128xf32> to vector<512x128xf32>
    %dot_general3A_166 = arith.constant dense<0.000000e+00> : vector<2048x512xf32>
    %dot_general3A_167 = tpu.matmul %get3A_27, %slice3A_165, %dot_general3A_166 {dimension_numbers = #tpu.dot_dimension_numbers<[1], [1], [0], [0], [0, 0, 1, 0], [], []>, transpose_lhs_hint = false} : vector<2048x128xf32>, vector<512x128xf32>, vector<2048x512xf32> -> vector<2048x512xf32>
    %bitcast_convert_type3A_168 = tpu.bitcast %dot_general3A_167 : vector<2048x512xf32> -> vector<2048x512xi32>
    %sub3A_169 = arith.constant 7 : i32
    %sub3A_170 = arith.subi %sub3A_169, %and3A_28 : i32
    %mul3A_171 = arith.constant 8 : i32
    %mul3A_172 = arith.muli %sub3A_170, %mul3A_171 : i32
    %add3A_173 = arith.constant 5 : i32
    %add3A_174 = arith.addi %mul3A_172, %add3A_173 : i32
    %slice3A_175 = vector.extract_strided_slice %bitcast_convert_type3A_168 {offsets = [0, 0], sizes = [2048, 128], strides = [1, 1]} : vector<2048x512xi32> to vector<2048x128xi32>
    %shift_left3A_176 = arith.constant 8 : i32
    %shift_left3A_177 = vector.broadcast %shift_left3A_176 : i32 to vector<2048x128xi32>
    %shift_left3A_178 = arith.shli %slice3A_175, %shift_left3A_177 : vector<2048x128xi32>
    %mul3A_179 = arith.constant 4 : i32
    %mul3A_180 = arith.muli %mul3A_179, %add3A_174 : i32
    %add3A_181 = arith.constant 3 : i32
    %add3A_182 = arith.addi %mul3A_180, %add3A_181 : i32
    %sub3A_183 = arith.constant 0 : i32
    %sub3A_184 = arith.subi %add3A_182, %sub3A_183 : i32
    %add3A_185 = vector.broadcast %sub3A_184 : i32 to vector<2048x128xi32>
    %add3A_186 = arith.addi %shift_left3A_178, %add3A_185 : vector<2048x128xi32>
    %slice3A_187 = vector.extract_strided_slice %bitcast_convert_type3A_168 {offsets = [0, 128], sizes = [2048, 128], strides = [1, 1]} : vector<2048x512xi32> to vector<2048x128xi32>
    %shift_left3A_188 = arith.constant 8 : i32
    %shift_left3A_189 = vector.broadcast %shift_left3A_188 : i32 to vector<2048x128xi32>
    %shift_left3A_190 = arith.shli %slice3A_187, %shift_left3A_189 : vector<2048x128xi32>
    %mul3A_191 = arith.constant 4 : i32
    %mul3A_192 = arith.muli %mul3A_191, %add3A_174 : i32
    %add3A_193 = arith.constant 3 : i32
    %add3A_194 = arith.addi %mul3A_192, %add3A_193 : i32
    %sub3A_195 = arith.constant 1 : i32
    %sub3A_196 = arith.subi %add3A_194, %sub3A_195 : i32
    %add3A_197 = vector.broadcast %sub3A_196 : i32 to vector<2048x128xi32>
    %add3A_198 = arith.addi %shift_left3A_190, %add3A_197 : vector<2048x128xi32>
    %slice3A_199 = vector.extract_strided_slice %bitcast_convert_type3A_168 {offsets = [0, 256], sizes = [2048, 128], strides = [1, 1]} : vector<2048x512xi32> to vector<2048x128xi32>
    %shift_left3A_200 = arith.constant 8 : i32
    %shift_left3A_201 = vector.broadcast %shift_left3A_200 : i32 to vector<2048x128xi32>
    %shift_left3A_202 = arith.shli %slice3A_199, %shift_left3A_201 : vector<2048x128xi32>
    %mul3A_203 = arith.constant 4 : i32
    %mul3A_204 = arith.muli %mul3A_203, %add3A_174 : i32
    %add3A_205 = arith.constant 3 : i32
    %add3A_206 = arith.addi %mul3A_204, %add3A_205 : i32
    %sub3A_207 = arith.constant 2 : i32
    %sub3A_208 = arith.subi %add3A_206, %sub3A_207 : i32
    %add3A_209 = vector.broadcast %sub3A_208 : i32 to vector<2048x128xi32>
    %add3A_210 = arith.addi %shift_left3A_202, %add3A_209 : vector<2048x128xi32>
    %slice3A_211 = vector.extract_strided_slice %bitcast_convert_type3A_168 {offsets = [0, 384], sizes = [2048, 128], strides = [1, 1]} : vector<2048x512xi32> to vector<2048x128xi32>
    %shift_left3A_212 = arith.constant 8 : i32
    %shift_left3A_213 = vector.broadcast %shift_left3A_212 : i32 to vector<2048x128xi32>
    %shift_left3A_214 = arith.shli %slice3A_211, %shift_left3A_213 : vector<2048x128xi32>
    %mul3A_215 = arith.constant 4 : i32
    %mul3A_216 = arith.muli %mul3A_215, %add3A_174 : i32
    %add3A_217 = arith.constant 3 : i32
    %add3A_218 = arith.addi %mul3A_216, %add3A_217 : i32
    %sub3A_219 = arith.constant 3 : i32
    %sub3A_220 = arith.subi %add3A_218, %sub3A_219 : i32
    %add3A_221 = vector.broadcast %sub3A_220 : i32 to vector<2048x128xi32>
    %add3A_222 = arith.addi %shift_left3A_214, %add3A_221 : vector<2048x128xi32>
    %max3A_223 = arith.maxsi %add3A_186, %add3A_198 : vector<2048x128xi32>
    %max3A_224 = arith.maxsi %add3A_210, %add3A_222 : vector<2048x128xi32>
    %max3A_225 = arith.maxsi %max3A_223, %max3A_224 : vector<2048x128xi32>
    %min3A_226 = arith.minsi %max3A_225, %max3A_164 : vector<2048x128xi32>
    %max3A_227 = arith.maxsi %max3A_163, %min3A_226 : vector<2048x128xi32>
    %max3A_228 = arith.maxsi %max3A_164, %max3A_225 : vector<2048x128xi32>
    %slice3A_229 = vector.extract_strided_slice %concatenate3A {offsets = [1536, 0], sizes = [512, 128], strides = [1, 1]} : vector<4096x128xf32> to vector<512x128xf32>
    %dot_general3A_230 = arith.constant dense<0.000000e+00> : vector<2048x512xf32>
    %dot_general3A_231 = tpu.matmul %get3A_27, %slice3A_229, %dot_general3A_230 {dimension_numbers = #tpu.dot_dimension_numbers<[1], [1], [0], [0], [0, 0, 1, 0], [], []>, transpose_lhs_hint = false} : vector<2048x128xf32>, vector<512x128xf32>, vector<2048x512xf32> -> vector<2048x512xf32>
    %bitcast_convert_type3A_232 = tpu.bitcast %dot_general3A_231 : vector<2048x512xf32> -> vector<2048x512xi32>
    %sub3A_233 = arith.constant 7 : i32
    %sub3A_234 = arith.subi %sub3A_233, %and3A_28 : i32
    %mul3A_235 = arith.constant 8 : i32
    %mul3A_236 = arith.muli %sub3A_234, %mul3A_235 : i32
    %add3A_237 = arith.constant 4 : i32
    %add3A_238 = arith.addi %mul3A_236, %add3A_237 : i32
    %slice3A_239 = vector.extract_strided_slice %bitcast_convert_type3A_232 {offsets = [0, 0], sizes = [2048, 128], strides = [1, 1]} : vector<2048x512xi32> to vector<2048x128xi32>
    %shift_left3A_240 = arith.constant 8 : i32
    %shift_left3A_241 = vector.broadcast %shift_left3A_240 : i32 to vector<2048x128xi32>
    %shift_left3A_242 = arith.shli %slice3A_239, %shift_left3A_241 : vector<2048x128xi32>
    %mul3A_243 = arith.constant 4 : i32
    %mul3A_244 = arith.muli %mul3A_243, %add3A_238 : i32
    %add3A_245 = arith.constant 3 : i32
    %add3A_246 = arith.addi %mul3A_244, %add3A_245 : i32
    %sub3A_247 = arith.constant 0 : i32
    %sub3A_248 = arith.subi %add3A_246, %sub3A_247 : i32
    %add3A_249 = vector.broadcast %sub3A_248 : i32 to vector<2048x128xi32>
    %add3A_250 = arith.addi %shift_left3A_242, %add3A_249 : vector<2048x128xi32>
    %slice3A_251 = vector.extract_strided_slice %bitcast_convert_type3A_232 {offsets = [0, 128], sizes = [2048, 128], strides = [1, 1]} : vector<2048x512xi32> to vector<2048x128xi32>
    %shift_left3A_252 = arith.constant 8 : i32
    %shift_left3A_253 = vector.broadcast %shift_left3A_252 : i32 to vector<2048x128xi32>
    %shift_left3A_254 = arith.shli %slice3A_251, %shift_left3A_253 : vector<2048x128xi32>
    %mul3A_255 = arith.constant 4 : i32
    %mul3A_256 = arith.muli %mul3A_255, %add3A_238 : i32
    %add3A_257 = arith.constant 3 : i32
    %add3A_258 = arith.addi %mul3A_256, %add3A_257 : i32
    %sub3A_259 = arith.constant 1 : i32
    %sub3A_260 = arith.subi %add3A_258, %sub3A_259 : i32
    %add3A_261 = vector.broadcast %sub3A_260 : i32 to vector<2048x128xi32>
    %add3A_262 = arith.addi %shift_left3A_254, %add3A_261 : vector<2048x128xi32>
    %slice3A_263 = vector.extract_strided_slice %bitcast_convert_type3A_232 {offsets = [0, 256], sizes = [2048, 128], strides = [1, 1]} : vector<2048x512xi32> to vector<2048x128xi32>
    %shift_left3A_264 = arith.constant 8 : i32
    %shift_left3A_265 = vector.broadcast %shift_left3A_264 : i32 to vector<2048x128xi32>
    %shift_left3A_266 = arith.shli %slice3A_263, %shift_left3A_265 : vector<2048x128xi32>
    %mul3A_267 = arith.constant 4 : i32
    %mul3A_268 = arith.muli %mul3A_267, %add3A_238 : i32
    %add3A_269 = arith.constant 3 : i32
    %add3A_270 = arith.addi %mul3A_268, %add3A_269 : i32
    %sub3A_271 = arith.constant 2 : i32
    %sub3A_272 = arith.subi %add3A_270, %sub3A_271 : i32
    %add3A_273 = vector.broadcast %sub3A_272 : i32 to vector<2048x128xi32>
    %add3A_274 = arith.addi %shift_left3A_266, %add3A_273 : vector<2048x128xi32>
    %slice3A_275 = vector.extract_strided_slice %bitcast_convert_type3A_232 {offsets = [0, 384], sizes = [2048, 128], strides = [1, 1]} : vector<2048x512xi32> to vector<2048x128xi32>
    %shift_left3A_276 = arith.constant 8 : i32
    %shift_left3A_277 = vector.broadcast %shift_left3A_276 : i32 to vector<2048x128xi32>
    %shift_left3A_278 = arith.shli %slice3A_275, %shift_left3A_277 : vector<2048x128xi32>
    %mul3A_279 = arith.constant 4 : i32
    %mul3A_280 = arith.muli %mul3A_279, %add3A_238 : i32
    %add3A_281 = arith.constant 3 : i32
    %add3A_282 = arith.addi %mul3A_280, %add3A_281 : i32
    %sub3A_283 = arith.constant 3 : i32
    %sub3A_284 = arith.subi %add3A_282, %sub3A_283 : i32
    %add3A_285 = vector.broadcast %sub3A_284 : i32 to vector<2048x128xi32>
    %add3A_286 = arith.addi %shift_left3A_278, %add3A_285 : vector<2048x128xi32>
    %max3A_287 = arith.maxsi %add3A_250, %add3A_262 : vector<2048x128xi32>
    %max3A_288 = arith.maxsi %add3A_274, %add3A_286 : vector<2048x128xi32>
    %max3A_289 = arith.maxsi %max3A_287, %max3A_288 : vector<2048x128xi32>
    %min3A_290 = arith.minsi %max3A_289, %max3A_228 : vector<2048x128xi32>
    %max3A_291 = arith.maxsi %max3A_227, %min3A_290 : vector<2048x128xi32>
    %max3A_292 = arith.maxsi %max3A_228, %max3A_289 : vector<2048x128xi32>
    %slice3A_293 = vector.extract_strided_slice %concatenate3A {offsets = [2048, 0], sizes = [512, 128], strides = [1, 1]} : vector<4096x128xf32> to vector<512x128xf32>
    %dot_general3A_294 = arith.constant dense<0.000000e+00> : vector<2048x512xf32>
    %dot_general3A_295 = tpu.matmul %get3A_27, %slice3A_293, %dot_general3A_294 {dimension_numbers = #tpu.dot_dimension_numbers<[1], [1], [0], [0], [0, 0, 1, 0], [], []>, transpose_lhs_hint = false} : vector<2048x128xf32>, vector<512x128xf32>, vector<2048x512xf32> -> vector<2048x512xf32>
    %bitcast_convert_type3A_296 = tpu.bitcast %dot_general3A_295 : vector<2048x512xf32> -> vector<2048x512xi32>
    %sub3A_297 = arith.constant 7 : i32
    %sub3A_298 = arith.subi %sub3A_297, %and3A_28 : i32
    %mul3A_299 = arith.constant 8 : i32
    %mul3A_300 = arith.muli %sub3A_298, %mul3A_299 : i32
    %add3A_301 = arith.constant 3 : i32
    %add3A_302 = arith.addi %mul3A_300, %add3A_301 : i32
    %slice3A_303 = vector.extract_strided_slice %bitcast_convert_type3A_296 {offsets = [0, 0], sizes = [2048, 128], strides = [1, 1]} : vector<2048x512xi32> to vector<2048x128xi32>
    %shift_left3A_304 = arith.constant 8 : i32
    %shift_left3A_305 = vector.broadcast %shift_left3A_304 : i32 to vector<2048x128xi32>
    %shift_left3A_306 = arith.shli %slice3A_303, %shift_left3A_305 : vector<2048x128xi32>
    %mul3A_307 = arith.constant 4 : i32
    %mul3A_308 = arith.muli %mul3A_307, %add3A_302 : i32
    %add3A_309 = arith.constant 3 : i32
    %add3A_310 = arith.addi %mul3A_308, %add3A_309 : i32
    %sub3A_311 = arith.constant 0 : i32
    %sub3A_312 = arith.subi %add3A_310, %sub3A_311 : i32
    %add3A_313 = vector.broadcast %sub3A_312 : i32 to vector<2048x128xi32>
    %add3A_314 = arith.addi %shift_left3A_306, %add3A_313 : vector<2048x128xi32>
    %slice3A_315 = vector.extract_strided_slice %bitcast_convert_type3A_296 {offsets = [0, 128], sizes = [2048, 128], strides = [1, 1]} : vector<2048x512xi32> to vector<2048x128xi32>
    %shift_left3A_316 = arith.constant 8 : i32
    %shift_left3A_317 = vector.broadcast %shift_left3A_316 : i32 to vector<2048x128xi32>
    %shift_left3A_318 = arith.shli %slice3A_315, %shift_left3A_317 : vector<2048x128xi32>
    %mul3A_319 = arith.constant 4 : i32
    %mul3A_320 = arith.muli %mul3A_319, %add3A_302 : i32
    %add3A_321 = arith.constant 3 : i32
    %add3A_322 = arith.addi %mul3A_320, %add3A_321 : i32
    %sub3A_323 = arith.constant 1 : i32
    %sub3A_324 = arith.subi %add3A_322, %sub3A_323 : i32
    %add3A_325 = vector.broadcast %sub3A_324 : i32 to vector<2048x128xi32>
    %add3A_326 = arith.addi %shift_left3A_318, %add3A_325 : vector<2048x128xi32>
    %slice3A_327 = vector.extract_strided_slice %bitcast_convert_type3A_296 {offsets = [0, 256], sizes = [2048, 128], strides = [1, 1]} : vector<2048x512xi32> to vector<2048x128xi32>
    %shift_left3A_328 = arith.constant 8 : i32
    %shift_left3A_329 = vector.broadcast %shift_left3A_328 : i32 to vector<2048x128xi32>
    %shift_left3A_330 = arith.shli %slice3A_327, %shift_left3A_329 : vector<2048x128xi32>
    %mul3A_331 = arith.constant 4 : i32
    %mul3A_332 = arith.muli %mul3A_331, %add3A_302 : i32
    %add3A_333 = arith.constant 3 : i32
    %add3A_334 = arith.addi %mul3A_332, %add3A_333 : i32
    %sub3A_335 = arith.constant 2 : i32
    %sub3A_336 = arith.subi %add3A_334, %sub3A_335 : i32
    %add3A_337 = vector.broadcast %sub3A_336 : i32 to vector<2048x128xi32>
    %add3A_338 = arith.addi %shift_left3A_330, %add3A_337 : vector<2048x128xi32>
    %slice3A_339 = vector.extract_strided_slice %bitcast_convert_type3A_296 {offsets = [0, 384], sizes = [2048, 128], strides = [1, 1]} : vector<2048x512xi32> to vector<2048x128xi32>
    %shift_left3A_340 = arith.constant 8 : i32
    %shift_left3A_341 = vector.broadcast %shift_left3A_340 : i32 to vector<2048x128xi32>
    %shift_left3A_342 = arith.shli %slice3A_339, %shift_left3A_341 : vector<2048x128xi32>
    %mul3A_343 = arith.constant 4 : i32
    %mul3A_344 = arith.muli %mul3A_343, %add3A_302 : i32
    %add3A_345 = arith.constant 3 : i32
    %add3A_346 = arith.addi %mul3A_344, %add3A_345 : i32
    %sub3A_347 = arith.constant 3 : i32
    %sub3A_348 = arith.subi %add3A_346, %sub3A_347 : i32
    %add3A_349 = vector.broadcast %sub3A_348 : i32 to vector<2048x128xi32>
    %add3A_350 = arith.addi %shift_left3A_342, %add3A_349 : vector<2048x128xi32>
    %max3A_351 = arith.maxsi %add3A_314, %add3A_326 : vector<2048x128xi32>
    %max3A_352 = arith.maxsi %add3A_338, %add3A_350 : vector<2048x128xi32>
    %max3A_353 = arith.maxsi %max3A_351, %max3A_352 : vector<2048x128xi32>
    %min3A_354 = arith.minsi %max3A_353, %max3A_292 : vector<2048x128xi32>
    %max3A_355 = arith.maxsi %max3A_291, %min3A_354 : vector<2048x128xi32>
    %max3A_356 = arith.maxsi %max3A_292, %max3A_353 : vector<2048x128xi32>
    %slice3A_357 = vector.extract_strided_slice %concatenate3A {offsets = [2560, 0], sizes = [512, 128], strides = [1, 1]} : vector<4096x128xf32> to vector<512x128xf32>
    %dot_general3A_358 = arith.constant dense<0.000000e+00> : vector<2048x512xf32>
    %dot_general3A_359 = tpu.matmul %get3A_27, %slice3A_357, %dot_general3A_358 {dimension_numbers = #tpu.dot_dimension_numbers<[1], [1], [0], [0], [0, 0, 1, 0], [], []>, transpose_lhs_hint = false} : vector<2048x128xf32>, vector<512x128xf32>, vector<2048x512xf32> -> vector<2048x512xf32>
    %bitcast_convert_type3A_360 = tpu.bitcast %dot_general3A_359 : vector<2048x512xf32> -> vector<2048x512xi32>
    %sub3A_361 = arith.constant 7 : i32
    %sub3A_362 = arith.subi %sub3A_361, %and3A_28 : i32
    %mul3A_363 = arith.constant 8 : i32
    %mul3A_364 = arith.muli %sub3A_362, %mul3A_363 : i32
    %add3A_365 = arith.constant 2 : i32
    %add3A_366 = arith.addi %mul3A_364, %add3A_365 : i32
    %slice3A_367 = vector.extract_strided_slice %bitcast_convert_type3A_360 {offsets = [0, 0], sizes = [2048, 128], strides = [1, 1]} : vector<2048x512xi32> to vector<2048x128xi32>
    %shift_left3A_368 = arith.constant 8 : i32
    %shift_left3A_369 = vector.broadcast %shift_left3A_368 : i32 to vector<2048x128xi32>
    %shift_left3A_370 = arith.shli %slice3A_367, %shift_left3A_369 : vector<2048x128xi32>
    %mul3A_371 = arith.constant 4 : i32
    %mul3A_372 = arith.muli %mul3A_371, %add3A_366 : i32
    %add3A_373 = arith.constant 3 : i32
    %add3A_374 = arith.addi %mul3A_372, %add3A_373 : i32
    %sub3A_375 = arith.constant 0 : i32
    %sub3A_376 = arith.subi %add3A_374, %sub3A_375 : i32
    %add3A_377 = vector.broadcast %sub3A_376 : i32 to vector<2048x128xi32>
    %add3A_378 = arith.addi %shift_left3A_370, %add3A_377 : vector<2048x128xi32>
    %slice3A_379 = vector.extract_strided_slice %bitcast_convert_type3A_360 {offsets = [0, 128], sizes = [2048, 128], strides = [1, 1]} : vector<2048x512xi32> to vector<2048x128xi32>
    %shift_left3A_380 = arith.constant 8 : i32
    %shift_left3A_381 = vector.broadcast %shift_left3A_380 : i32 to vector<2048x128xi32>
    %shift_left3A_382 = arith.shli %slice3A_379, %shift_left3A_381 : vector<2048x128xi32>
    %mul3A_383 = arith.constant 4 : i32
    %mul3A_384 = arith.muli %mul3A_383, %add3A_366 : i32
    %add3A_385 = arith.constant 3 : i32
    %add3A_386 = arith.addi %mul3A_384, %add3A_385 : i32
    %sub3A_387 = arith.constant 1 : i32
    %sub3A_388 = arith.subi %add3A_386, %sub3A_387 : i32
    %add3A_389 = vector.broadcast %sub3A_388 : i32 to vector<2048x128xi32>
    %add3A_390 = arith.addi %shift_left3A_382, %add3A_389 : vector<2048x128xi32>
    %slice3A_391 = vector.extract_strided_slice %bitcast_convert_type3A_360 {offsets = [0, 256], sizes = [2048, 128], strides = [1, 1]} : vector<2048x512xi32> to vector<2048x128xi32>
    %shift_left3A_392 = arith.constant 8 : i32
    %shift_left3A_393 = vector.broadcast %shift_left3A_392 : i32 to vector<2048x128xi32>
    %shift_left3A_394 = arith.shli %slice3A_391, %shift_left3A_393 : vector<2048x128xi32>
    %mul3A_395 = arith.constant 4 : i32
    %mul3A_396 = arith.muli %mul3A_395, %add3A_366 : i32
    %add3A_397 = arith.constant 3 : i32
    %add3A_398 = arith.addi %mul3A_396, %add3A_397 : i32
    %sub3A_399 = arith.constant 2 : i32
    %sub3A_400 = arith.subi %add3A_398, %sub3A_399 : i32
    %add3A_401 = vector.broadcast %sub3A_400 : i32 to vector<2048x128xi32>
    %add3A_402 = arith.addi %shift_left3A_394, %add3A_401 : vector<2048x128xi32>
    %slice3A_403 = vector.extract_strided_slice %bitcast_convert_type3A_360 {offsets = [0, 384], sizes = [2048, 128], strides = [1, 1]} : vector<2048x512xi32> to vector<2048x128xi32>
    %shift_left3A_404 = arith.constant 8 : i32
    %shift_left3A_405 = vector.broadcast %shift_left3A_404 : i32 to vector<2048x128xi32>
    %shift_left3A_406 = arith.shli %slice3A_403, %shift_left3A_405 : vector<2048x128xi32>
    %mul3A_407 = arith.constant 4 : i32
    %mul3A_408 = arith.muli %mul3A_407, %add3A_366 : i32
    %add3A_409 = arith.constant 3 : i32
    %add3A_410 = arith.addi %mul3A_408, %add3A_409 : i32
    %sub3A_411 = arith.constant 3 : i32
    %sub3A_412 = arith.subi %add3A_410, %sub3A_411 : i32
    %add3A_413 = vector.broadcast %sub3A_412 : i32 to vector<2048x128xi32>
    %add3A_414 = arith.addi %shift_left3A_406, %add3A_413 : vector<2048x128xi32>
    %max3A_415 = arith.maxsi %add3A_378, %add3A_390 : vector<2048x128xi32>
    %max3A_416 = arith.maxsi %add3A_402, %add3A_414 : vector<2048x128xi32>
    %max3A_417 = arith.maxsi %max3A_415, %max3A_416 : vector<2048x128xi32>
    %min3A_418 = arith.minsi %max3A_417, %max3A_356 : vector<2048x128xi32>
    %max3A_419 = arith.maxsi %max3A_355, %min3A_418 : vector<2048x128xi32>
    %max3A_420 = arith.maxsi %max3A_356, %max3A_417 : vector<2048x128xi32>
    %slice3A_421 = vector.extract_strided_slice %concatenate3A {offsets = [3072, 0], sizes = [512, 128], strides = [1, 1]} : vector<4096x128xf32> to vector<512x128xf32>
    %dot_general3A_422 = arith.constant dense<0.000000e+00> : vector<2048x512xf32>
    %dot_general3A_423 = tpu.matmul %get3A_27, %slice3A_421, %dot_general3A_422 {dimension_numbers = #tpu.dot_dimension_numbers<[1], [1], [0], [0], [0, 0, 1, 0], [], []>, transpose_lhs_hint = false} : vector<2048x128xf32>, vector<512x128xf32>, vector<2048x512xf32> -> vector<2048x512xf32>
    %bitcast_convert_type3A_424 = tpu.bitcast %dot_general3A_423 : vector<2048x512xf32> -> vector<2048x512xi32>
    %sub3A_425 = arith.constant 7 : i32
    %sub3A_426 = arith.subi %sub3A_425, %and3A_28 : i32
    %mul3A_427 = arith.constant 8 : i32
    %mul3A_428 = arith.muli %sub3A_426, %mul3A_427 : i32
    %add3A_429 = arith.constant 1 : i32
    %add3A_430 = arith.addi %mul3A_428, %add3A_429 : i32
    %slice3A_431 = vector.extract_strided_slice %bitcast_convert_type3A_424 {offsets = [0, 0], sizes = [2048, 128], strides = [1, 1]} : vector<2048x512xi32> to vector<2048x128xi32>
    %shift_left3A_432 = arith.constant 8 : i32
    %shift_left3A_433 = vector.broadcast %shift_left3A_432 : i32 to vector<2048x128xi32>
    %shift_left3A_434 = arith.shli %slice3A_431, %shift_left3A_433 : vector<2048x128xi32>
    %mul3A_435 = arith.constant 4 : i32
    %mul3A_436 = arith.muli %mul3A_435, %add3A_430 : i32
    %add3A_437 = arith.constant 3 : i32
    %add3A_438 = arith.addi %mul3A_436, %add3A_437 : i32
    %sub3A_439 = arith.constant 0 : i32
    %sub3A_440 = arith.subi %add3A_438, %sub3A_439 : i32
    %add3A_441 = vector.broadcast %sub3A_440 : i32 to vector<2048x128xi32>
    %add3A_442 = arith.addi %shift_left3A_434, %add3A_441 : vector<2048x128xi32>
    %slice3A_443 = vector.extract_strided_slice %bitcast_convert_type3A_424 {offsets = [0, 128], sizes = [2048, 128], strides = [1, 1]} : vector<2048x512xi32> to vector<2048x128xi32>
    %shift_left3A_444 = arith.constant 8 : i32
    %shift_left3A_445 = vector.broadcast %shift_left3A_444 : i32 to vector<2048x128xi32>
    %shift_left3A_446 = arith.shli %slice3A_443, %shift_left3A_445 : vector<2048x128xi32>
    %mul3A_447 = arith.constant 4 : i32
    %mul3A_448 = arith.muli %mul3A_447, %add3A_430 : i32
    %add3A_449 = arith.constant 3 : i32
    %add3A_450 = arith.addi %mul3A_448, %add3A_449 : i32
    %sub3A_451 = arith.constant 1 : i32
    %sub3A_452 = arith.subi %add3A_450, %sub3A_451 : i32
    %add3A_453 = vector.broadcast %sub3A_452 : i32 to vector<2048x128xi32>
    %add3A_454 = arith.addi %shift_left3A_446, %add3A_453 : vector<2048x128xi32>
    %slice3A_455 = vector.extract_strided_slice %bitcast_convert_type3A_424 {offsets = [0, 256], sizes = [2048, 128], strides = [1, 1]} : vector<2048x512xi32> to vector<2048x128xi32>
    %shift_left3A_456 = arith.constant 8 : i32
    %shift_left3A_457 = vector.broadcast %shift_left3A_456 : i32 to vector<2048x128xi32>
    %shift_left3A_458 = arith.shli %slice3A_455, %shift_left3A_457 : vector<2048x128xi32>
    %mul3A_459 = arith.constant 4 : i32
    %mul3A_460 = arith.muli %mul3A_459, %add3A_430 : i32
    %add3A_461 = arith.constant 3 : i32
    %add3A_462 = arith.addi %mul3A_460, %add3A_461 : i32
    %sub3A_463 = arith.constant 2 : i32
    %sub3A_464 = arith.subi %add3A_462, %sub3A_463 : i32
    %add3A_465 = vector.broadcast %sub3A_464 : i32 to vector<2048x128xi32>
    %add3A_466 = arith.addi %shift_left3A_458, %add3A_465 : vector<2048x128xi32>
    %slice3A_467 = vector.extract_strided_slice %bitcast_convert_type3A_424 {offsets = [0, 384], sizes = [2048, 128], strides = [1, 1]} : vector<2048x512xi32> to vector<2048x128xi32>
    %shift_left3A_468 = arith.constant 8 : i32
    %shift_left3A_469 = vector.broadcast %shift_left3A_468 : i32 to vector<2048x128xi32>
    %shift_left3A_470 = arith.shli %slice3A_467, %shift_left3A_469 : vector<2048x128xi32>
    %mul3A_471 = arith.constant 4 : i32
    %mul3A_472 = arith.muli %mul3A_471, %add3A_430 : i32
    %add3A_473 = arith.constant 3 : i32
    %add3A_474 = arith.addi %mul3A_472, %add3A_473 : i32
    %sub3A_475 = arith.constant 3 : i32
    %sub3A_476 = arith.subi %add3A_474, %sub3A_475 : i32
    %add3A_477 = vector.broadcast %sub3A_476 : i32 to vector<2048x128xi32>
    %add3A_478 = arith.addi %shift_left3A_470, %add3A_477 : vector<2048x128xi32>
    %max3A_479 = arith.maxsi %add3A_442, %add3A_454 : vector<2048x128xi32>
    %max3A_480 = arith.maxsi %add3A_466, %add3A_478 : vector<2048x128xi32>
    %max3A_481 = arith.maxsi %max3A_479, %max3A_480 : vector<2048x128xi32>
    %min3A_482 = arith.minsi %max3A_481, %max3A_420 : vector<2048x128xi32>
    %max3A_483 = arith.maxsi %max3A_419, %min3A_482 : vector<2048x128xi32>
    %max3A_484 = arith.maxsi %max3A_420, %max3A_481 : vector<2048x128xi32>
    %slice3A_485 = vector.extract_strided_slice %concatenate3A {offsets = [3584, 0], sizes = [512, 128], strides = [1, 1]} : vector<4096x128xf32> to vector<512x128xf32>
    %dot_general3A_486 = arith.constant dense<0.000000e+00> : vector<2048x512xf32>
    %dot_general3A_487 = tpu.matmul %get3A_27, %slice3A_485, %dot_general3A_486 {dimension_numbers = #tpu.dot_dimension_numbers<[1], [1], [0], [0], [0, 0, 1, 0], [], []>, transpose_lhs_hint = false} : vector<2048x128xf32>, vector<512x128xf32>, vector<2048x512xf32> -> vector<2048x512xf32>
    %bitcast_convert_type3A_488 = tpu.bitcast %dot_general3A_487 : vector<2048x512xf32> -> vector<2048x512xi32>
    %sub3A_489 = arith.constant 7 : i32
    %sub3A_490 = arith.subi %sub3A_489, %and3A_28 : i32
    %mul3A_491 = arith.constant 8 : i32
    %mul3A_492 = arith.muli %sub3A_490, %mul3A_491 : i32
    %add3A_493 = arith.constant 0 : i32
    %add3A_494 = arith.addi %mul3A_492, %add3A_493 : i32
    %slice3A_495 = vector.extract_strided_slice %bitcast_convert_type3A_488 {offsets = [0, 0], sizes = [2048, 128], strides = [1, 1]} : vector<2048x512xi32> to vector<2048x128xi32>
    %shift_left3A_496 = arith.constant 8 : i32
    %shift_left3A_497 = vector.broadcast %shift_left3A_496 : i32 to vector<2048x128xi32>
    %shift_left3A_498 = arith.shli %slice3A_495, %shift_left3A_497 : vector<2048x128xi32>
    %mul3A_499 = arith.constant 4 : i32
    %mul3A_500 = arith.muli %mul3A_499, %add3A_494 : i32
    %add3A_501 = arith.constant 3 : i32
    %add3A_502 = arith.addi %mul3A_500, %add3A_501 : i32
    %sub3A_503 = arith.constant 0 : i32
    %sub3A_504 = arith.subi %add3A_502, %sub3A_503 : i32
    %add3A_505 = vector.broadcast %sub3A_504 : i32 to vector<2048x128xi32>
    %add3A_506 = arith.addi %shift_left3A_498, %add3A_505 : vector<2048x128xi32>
    %slice3A_507 = vector.extract_strided_slice %bitcast_convert_type3A_488 {offsets = [0, 128], sizes = [2048, 128], strides = [1, 1]} : vector<2048x512xi32> to vector<2048x128xi32>
    %shift_left3A_508 = arith.constant 8 : i32
    %shift_left3A_509 = vector.broadcast %shift_left3A_508 : i32 to vector<2048x128xi32>
    %shift_left3A_510 = arith.shli %slice3A_507, %shift_left3A_509 : vector<2048x128xi32>
    %mul3A_511 = arith.constant 4 : i32
    %mul3A_512 = arith.muli %mul3A_511, %add3A_494 : i32
    %add3A_513 = arith.constant 3 : i32
    %add3A_514 = arith.addi %mul3A_512, %add3A_513 : i32
    %sub3A_515 = arith.constant 1 : i32
    %sub3A_516 = arith.subi %add3A_514, %sub3A_515 : i32
    %add3A_517 = vector.broadcast %sub3A_516 : i32 to vector<2048x128xi32>
    %add3A_518 = arith.addi %shift_left3A_510, %add3A_517 : vector<2048x128xi32>
    %slice3A_519 = vector.extract_strided_slice %bitcast_convert_type3A_488 {offsets = [0, 256], sizes = [2048, 128], strides = [1, 1]} : vector<2048x512xi32> to vector<2048x128xi32>
    %shift_left3A_520 = arith.constant 8 : i32
    %shift_left3A_521 = vector.broadcast %shift_left3A_520 : i32 to vector<2048x128xi32>
    %shift_left3A_522 = arith.shli %slice3A_519, %shift_left3A_521 : vector<2048x128xi32>
    %mul3A_523 = arith.constant 4 : i32
    %mul3A_524 = arith.muli %mul3A_523, %add3A_494 : i32
    %add3A_525 = arith.constant 3 : i32
    %add3A_526 = arith.addi %mul3A_524, %add3A_525 : i32
    %sub3A_527 = arith.constant 2 : i32
    %sub3A_528 = arith.subi %add3A_526, %sub3A_527 : i32
    %add3A_529 = vector.broadcast %sub3A_528 : i32 to vector<2048x128xi32>
    %add3A_530 = arith.addi %shift_left3A_522, %add3A_529 : vector<2048x128xi32>
    %slice3A_531 = vector.extract_strided_slice %bitcast_convert_type3A_488 {offsets = [0, 384], sizes = [2048, 128], strides = [1, 1]} : vector<2048x512xi32> to vector<2048x128xi32>
    %shift_left3A_532 = arith.constant 8 : i32
    %shift_left3A_533 = vector.broadcast %shift_left3A_532 : i32 to vector<2048x128xi32>
    %shift_left3A_534 = arith.shli %slice3A_531, %shift_left3A_533 : vector<2048x128xi32>
    %mul3A_535 = arith.constant 4 : i32
    %mul3A_536 = arith.muli %mul3A_535, %add3A_494 : i32
    %add3A_537 = arith.constant 3 : i32
    %add3A_538 = arith.addi %mul3A_536, %add3A_537 : i32
    %sub3A_539 = arith.constant 3 : i32
    %sub3A_540 = arith.subi %add3A_538, %sub3A_539 : i32
    %add3A_541 = vector.broadcast %sub3A_540 : i32 to vector<2048x128xi32>
    %add3A_542 = arith.addi %shift_left3A_534, %add3A_541 : vector<2048x128xi32>
    %max3A_543 = arith.maxsi %add3A_506, %add3A_518 : vector<2048x128xi32>
    %max3A_544 = arith.maxsi %add3A_530, %add3A_542 : vector<2048x128xi32>
    %max3A_545 = arith.maxsi %max3A_543, %max3A_544 : vector<2048x128xi32>
    %min3A_546 = arith.minsi %max3A_545, %max3A_484 : vector<2048x128xi32>
    %max3A_547 = arith.maxsi %max3A_483, %min3A_546 : vector<2048x128xi32>
    %max3A_548 = arith.maxsi %max3A_484, %max3A_545 : vector<2048x128xi32>
    %swap3A = arith.constant 0 : index
    %swap3A_549 = arith.constant 0 : index
    %swap3A_550 = vector.load %arg8[%swap3A, %swap3A_549] : memref<2048x128xi32, #tpu.memory_space<vmem>>, vector<2048x128xi32>
    tpu.vector_store %arg8[%swap3A, %swap3A_549], %max3A_548 {strides = array<i32>} : memref<2048x128xi32, #tpu.memory_space<vmem>>, vector<2048x128xi32>,
    %swap3A_551 = arith.constant 0 : index
    %swap3A_552 = arith.constant 0 : index
    %swap3A_553 = vector.load %arg9[%swap3A_551, %swap3A_552] : memref<2048x128xi32, #tpu.memory_space<vmem>>, vector<2048x128xi32>
    tpu.vector_store %arg9[%swap3A_551, %swap3A_552], %max3A_547 {strides = array<i32>} : memref<2048x128xi32, #tpu.memory_space<vmem>>, vector<2048x128xi32>,
    %eq3A_554 = arith.constant 7 : i32
    %eq3A_555 = arith.cmpi eq, %and3A_28, %eq3A_554 : i32
    %eq3A_556 = arith.constant 24 : i32
    %eq3A_557 = arith.cmpi eq, %arg0, %eq3A_556 : i32
    %or3A = arith.ori %eq3A_555, %eq3A_557 : i1
    %convert_element_type3A_558 = arith.extui %or3A : i1 to i32
    %cond3A_559 = arith.constant 0 : i32
    %cond3A_560 = arith.cmpi ne, %convert_element_type3A_558, %cond3A_559 : i32
    scf.if %cond3A_560 {
      %iota3A_566 = tpu.iota {dimensions = array<i32: 1>} : vector<2048x256xi32>
      %concatenate3A_567 = tpu.concatenate %max3A_548, %max3A_547 in 1 : vector<2048x128xi32>, vector<2048x128xi32> -> vector<2048x256xi32>
      %and3A_568 = arith.constant -8 : i32
      %and3A_569 = arith.andi %arg0, %and3A_568 : i32
      %mul3A_570 = arith.constant 4096 : i32
      %mul3A_571 = arith.muli %and3A_569, %mul3A_570 : i32
      %reduce_max3A = arith.constant dense<-2147483648> : vector<2048xi32>
      %reduce_max3A_572 = vector.multi_reduction <maxsi>, %concatenate3A_567, %reduce_max3A [1] : vector<2048x256xi32> to vector<2048xi32>
      %broadcast_in_dim3A_573 = vector.shape_cast %reduce_max3A_572 : vector<2048xi32> to vector<2048x1xi32>
      %eq3A_574 = vector.broadcast %broadcast_in_dim3A_573 : vector<2048x1xi32> to vector<2048x256xi32>
      %eq3A_575 = arith.cmpi eq, %concatenate3A_567, %eq3A_574 : vector<2048x256xi32>
      %jit3A_576 = arith.constant 2147483647 : i32
      %broadcast_in_dim3A_577 = vector.broadcast %jit3A_576 : i32 to vector<2048x256xi32>
      %select_n3A_578 = arith.select %eq3A_575, %iota3A_566, %broadcast_in_dim3A_577 : vector<2048x256xi1>, vector<2048x256xi32>
      %reduce_min3A = arith.constant dense<2147483647> : vector<2048xi32>
      %reduce_min3A_579 = vector.multi_reduction <minsi>, %select_n3A_578, %reduce_min3A [1] : vector<2048x256xi32> to vector<2048xi32>
      %broadcast_in_dim3A_580 = vector.shape_cast %reduce_min3A_579 : vector<2048xi32> to vector<2048x1xi32>
      %eq3A_581 = vector.broadcast %broadcast_in_dim3A_580 : vector<2048x1xi32> to vector<2048x256xi32>
      %eq3A_582 = arith.cmpi eq, %select_n3A_578, %eq3A_581 : vector<2048x256xi32>
      %jit3A_583 = arith.constant -2147483648 : i32
      %broadcast_in_dim3A_584 = vector.broadcast %jit3A_583 : i32 to vector<2048x256xi32>
      %select_n3A_585 = arith.select %eq3A_582, %broadcast_in_dim3A_584, %concatenate3A_567 : vector<2048x256xi1>, vector<2048x256xi32>
      %shift_right_logical3A = arith.constant 8 : i32
      %shift_right_logical3A_586 = vector.broadcast %shift_right_logical3A : i32 to vector<2048x1xi32>
      %shift_right_logical3A_587 = arith.shrui %broadcast_in_dim3A_573, %shift_right_logical3A_586 : vector<2048x1xi32>
      %and3A_588 = arith.constant 33554431 : i32
      %and3A_589 = vector.broadcast %and3A_588 : i32 to vector<2048x1xi32>
      %and3A_590 = arith.andi %shift_right_logical3A_587, %and3A_589 : vector<2048x1xi32>
      %or3A_591 = arith.constant 1073741824 : i32
      %or3A_592 = vector.broadcast %or3A_591 : i32 to vector<2048x1xi32>
      %or3A_593 = arith.ori %and3A_590, %or3A_592 : vector<2048x1xi32>
      %bitcast_convert_type3A_594 = tpu.bitcast %or3A_593 : vector<2048x1xi32> -> vector<2048x1xf32>
      %and3A_595 = arith.constant 255 : i32
      %and3A_596 = vector.broadcast %and3A_595 : i32 to vector<2048x1xi32>
      %and3A_597 = arith.andi %broadcast_in_dim3A_573, %and3A_596 : vector<2048x1xi32>
      %and3A_598 = arith.constant 3 : i32
      %and3A_599 = vector.broadcast %and3A_598 : i32 to vector<2048x1xi32>
      %and3A_600 = arith.andi %and3A_597, %and3A_599 : vector<2048x1xi32>
      %sub3A_601 = arith.constant 3 : i32
      %sub3A_602 = vector.broadcast %sub3A_601 : i32 to vector<2048x1xi32>
      %sub3A_603 = arith.subi %sub3A_602, %and3A_600 : vector<2048x1xi32>
      %shift_right_arithmetic3A = arith.constant 2 : i32
      %shift_right_arithmetic3A_604 = vector.broadcast %shift_right_arithmetic3A : i32 to vector<2048x1xi32>
      %shift_right_arithmetic3A_605 = arith.shrsi %and3A_597, %shift_right_arithmetic3A_604 : vector<2048x1xi32>
      %shift_right_arithmetic3A_606 = arith.constant 3 : i32
      %shift_right_arithmetic3A_607 = vector.broadcast %shift_right_arithmetic3A_606 : i32 to vector<2048x1xi32>
      %shift_right_arithmetic3A_608 = arith.shrsi %shift_right_arithmetic3A_605, %shift_right_arithmetic3A_607 : vector<2048x1xi32>
      %sub3A_609 = arith.constant 7 : i32
      %sub3A_610 = vector.broadcast %sub3A_609 : i32 to vector<2048x1xi32>
      %sub3A_611 = arith.subi %sub3A_610, %shift_right_arithmetic3A_608 : vector<2048x1xi32>
      %and3A_612 = arith.constant 7 : i32
      %and3A_613 = vector.broadcast %and3A_612 : i32 to vector<2048x1xi32>
      %and3A_614 = arith.andi %shift_right_arithmetic3A_605, %and3A_613 : vector<2048x1xi32>
      %sub3A_615 = arith.constant 7 : i32
      %sub3A_616 = vector.broadcast %sub3A_615 : i32 to vector<2048x1xi32>
      %sub3A_617 = arith.subi %sub3A_616, %and3A_614 : vector<2048x1xi32>
      %mul3A_618 = arith.constant 4 : i32
      %mul3A_619 = vector.broadcast %mul3A_618 : i32 to vector<2048x1xi32>
      %mul3A_620 = arith.muli %mul3A_619, %sub3A_617 : vector<2048x1xi32>
      %add3A_621 = arith.addi %mul3A_620, %sub3A_603 : vector<2048x1xi32>
      %mul3A_622 = arith.constant 4096 : i32
      %mul3A_623 = vector.broadcast %mul3A_622 : i32 to vector<2048x1xi32>
      %mul3A_624 = arith.muli %sub3A_611, %mul3A_623 : vector<2048x1xi32>
      %add3A_625 = vector.broadcast %mul3A_571 : i32 to vector<2048x1xi32>
      %add3A_626 = arith.addi %add3A_625, %mul3A_624 : vector<2048x1xi32>
      %mul3A_627 = arith.constant 128 : i32
      %mul3A_628 = vector.broadcast %mul3A_627 : i32 to vector<2048x1xi32>
      %mul3A_629 = arith.muli %add3A_621, %mul3A_628 : vector<2048x1xi32>
      %add3A_630 = arith.addi %add3A_626, %mul3A_629 : vector<2048x1xi32>
      %and3A_631 = arith.constant 127 : i32
      %and3A_632 = vector.broadcast %and3A_631 : i32 to vector<2048x1xi32>
      %and3A_633 = arith.andi %broadcast_in_dim3A_580, %and3A_632 : vector<2048x1xi32>
      %add3A_634 = arith.addi %add3A_630, %and3A_633 : vector<2048x1xi32>
      %reduce_max3A_635 = arith.constant dense<-2147483648> : vector<2048xi32>
      %reduce_max3A_636 = vector.multi_reduction <maxsi>, %select_n3A_585, %reduce_max3A_635 [1] : vector<2048x256xi32> to vector<2048xi32>
      %broadcast_in_dim3A_637 = vector.shape_cast %reduce_max3A_636 : vector<2048xi32> to vector<2048x1xi32>
      %eq3A_638 = vector.broadcast %broadcast_in_dim3A_637 : vector<2048x1xi32> to vector<2048x256xi32>
      %eq3A_639 = arith.cmpi eq, %select_n3A_585, %eq3A_638 : vector<2048x256xi32>
      %jit3A_640 = arith.constant 2147483647 : i32
      %broadcast_in_dim3A_641 = vector.broadcast %jit3A_640 : i32 to vector<2048x256xi32>
      %select_n3A_642 = arith.select %eq3A_639, %iota3A_566, %broadcast_in_dim3A_641 : vector<2048x256xi1>, vector<2048x256xi32>
      %reduce_min3A_643 = arith.constant dense<2147483647> : vector<2048xi32>
      %reduce_min3A_644 = vector.multi_reduction <minsi>, %select_n3A_642, %reduce_min3A_643 [1] : vector<2048x256xi32> to vector<2048xi32>
      %broadcast_in_dim3A_645 = vector.shape_cast %reduce_min3A_644 : vector<2048xi32> to vector<2048x1xi32>
      %eq3A_646 = vector.broadcast %broadcast_in_dim3A_645 : vector<2048x1xi32> to vector<2048x256xi32>
      %eq3A_647 = arith.cmpi eq, %select_n3A_642, %eq3A_646 : vector<2048x256xi32>
      %jit3A_648 = arith.constant -2147483648 : i32
      %broadcast_in_dim3A_649 = vector.broadcast %jit3A_648 : i32 to vector<2048x256xi32>
      %select_n3A_650 = arith.select %eq3A_647, %broadcast_in_dim3A_649, %select_n3A_585 : vector<2048x256xi1>, vector<2048x256xi32>
      %shift_right_logical3A_651 = arith.constant 8 : i32
      %shift_right_logical3A_652 = vector.broadcast %shift_right_logical3A_651 : i32 to vector<2048x1xi32>
      %shift_right_logical3A_653 = arith.shrui %broadcast_in_dim3A_637, %shift_right_logical3A_652 : vector<2048x1xi32>
      %and3A_654 = arith.constant 33554431 : i32
      %and3A_655 = vector.broadcast %and3A_654 : i32 to vector<2048x1xi32>
      %and3A_656 = arith.andi %shift_right_logical3A_653, %and3A_655 : vector<2048x1xi32>
      %or3A_657 = arith.constant 1073741824 : i32
      %or3A_658 = vector.broadcast %or3A_657 : i32 to vector<2048x1xi32>
      %or3A_659 = arith.ori %and3A_656, %or3A_658 : vector<2048x1xi32>
      %bitcast_convert_type3A_660 = tpu.bitcast %or3A_659 : vector<2048x1xi32> -> vector<2048x1xf32>
      %and3A_661 = arith.constant 255 : i32
      %and3A_662 = vector.broadcast %and3A_661 : i32 to vector<2048x1xi32>
      %and3A_663 = arith.andi %broadcast_in_dim3A_637, %and3A_662 : vector<2048x1xi32>
      %and3A_664 = arith.constant 3 : i32
      %and3A_665 = vector.broadcast %and3A_664 : i32 to vector<2048x1xi32>
      %and3A_666 = arith.andi %and3A_663, %and3A_665 : vector<2048x1xi32>
      %sub3A_667 = arith.constant 3 : i32
      %sub3A_668 = vector.broadcast %sub3A_667 : i32 to vector<2048x1xi32>
      %sub3A_669 = arith.subi %sub3A_668, %and3A_666 : vector<2048x1xi32>
      %shift_right_arithmetic3A_670 = arith.constant 2 : i32
      %shift_right_arithmetic3A_671 = vector.broadcast %shift_right_arithmetic3A_670 : i32 to vector<2048x1xi32>
      %shift_right_arithmetic3A_672 = arith.shrsi %and3A_663, %shift_right_arithmetic3A_671 : vector<2048x1xi32>
      %shift_right_arithmetic3A_673 = arith.constant 3 : i32
      %shift_right_arithmetic3A_674 = vector.broadcast %shift_right_arithmetic3A_673 : i32 to vector<2048x1xi32>
      %shift_right_arithmetic3A_675 = arith.shrsi %shift_right_arithmetic3A_672, %shift_right_arithmetic3A_674 : vector<2048x1xi32>
      %sub3A_676 = arith.constant 7 : i32
      %sub3A_677 = vector.broadcast %sub3A_676 : i32 to vector<2048x1xi32>
      %sub3A_678 = arith.subi %sub3A_677, %shift_right_arithmetic3A_675 : vector<2048x1xi32>
      %and3A_679 = arith.constant 7 : i32
      %and3A_680 = vector.broadcast %and3A_679 : i32 to vector<2048x1xi32>
      %and3A_681 = arith.andi %shift_right_arithmetic3A_672, %and3A_680 : vector<2048x1xi32>
      %sub3A_682 = arith.constant 7 : i32
      %sub3A_683 = vector.broadcast %sub3A_682 : i32 to vector<2048x1xi32>
      %sub3A_684 = arith.subi %sub3A_683, %and3A_681 : vector<2048x1xi32>
      %mul3A_685 = arith.constant 4 : i32
      %mul3A_686 = vector.broadcast %mul3A_685 : i32 to vector<2048x1xi32>
      %mul3A_687 = arith.muli %mul3A_686, %sub3A_684 : vector<2048x1xi32>
      %add3A_688 = arith.addi %mul3A_687, %sub3A_669 : vector<2048x1xi32>
      %mul3A_689 = arith.constant 4096 : i32
      %mul3A_690 = vector.broadcast %mul3A_689 : i32 to vector<2048x1xi32>
      %mul3A_691 = arith.muli %sub3A_678, %mul3A_690 : vector<2048x1xi32>
      %add3A_692 = vector.broadcast %mul3A_571 : i32 to vector<2048x1xi32>
      %add3A_693 = arith.addi %add3A_692, %mul3A_691 : vector<2048x1xi32>
      %mul3A_694 = arith.constant 128 : i32
      %mul3A_695 = vector.broadcast %mul3A_694 : i32 to vector<2048x1xi32>
      %mul3A_696 = arith.muli %add3A_688, %mul3A_695 : vector<2048x1xi32>
      %add3A_697 = arith.addi %add3A_693, %mul3A_696 : vector<2048x1xi32>
      %and3A_698 = arith.constant 127 : i32
      %and3A_699 = vector.broadcast %and3A_698 : i32 to vector<2048x1xi32>
      %and3A_700 = arith.andi %broadcast_in_dim3A_645, %and3A_699 : vector<2048x1xi32>
      %add3A_701 = arith.addi %add3A_697, %and3A_700 : vector<2048x1xi32>
      %reduce_max3A_702 = arith.constant dense<-2147483648> : vector<2048xi32>
      %reduce_max3A_703 = vector.multi_reduction <maxsi>, %select_n3A_650, %reduce_max3A_702 [1] : vector<2048x256xi32> to vector<2048xi32>
      %broadcast_in_dim3A_704 = vector.shape_cast %reduce_max3A_703 : vector<2048xi32> to vector<2048x1xi32>
      %eq3A_705 = vector.broadcast %broadcast_in_dim3A_704 : vector<2048x1xi32> to vector<2048x256xi32>
      %eq3A_706 = arith.cmpi eq, %select_n3A_650, %eq3A_705 : vector<2048x256xi32>
      %jit3A_707 = arith.constant 2147483647 : i32
      %broadcast_in_dim3A_708 = vector.broadcast %jit3A_707 : i32 to vector<2048x256xi32>
      %select_n3A_709 = arith.select %eq3A_706, %iota3A_566, %broadcast_in_dim3A_708 : vector<2048x256xi1>, vector<2048x256xi32>
      %reduce_min3A_710 = arith.constant dense<2147483647> : vector<2048xi32>
      %reduce_min3A_711 = vector.multi_reduction <minsi>, %select_n3A_709, %reduce_min3A_710 [1] : vector<2048x256xi32> to vector<2048xi32>
      %broadcast_in_dim3A_712 = vector.shape_cast %reduce_min3A_711 : vector<2048xi32> to vector<2048x1xi32>
      %eq3A_713 = vector.broadcast %broadcast_in_dim3A_712 : vector<2048x1xi32> to vector<2048x256xi32>
      %eq3A_714 = arith.cmpi eq, %select_n3A_709, %eq3A_713 : vector<2048x256xi32>
      %jit3A_715 = arith.constant -2147483648 : i32
      %broadcast_in_dim3A_716 = vector.broadcast %jit3A_715 : i32 to vector<2048x256xi32>
      %select_n3A_717 = arith.select %eq3A_714, %broadcast_in_dim3A_716, %select_n3A_650 : vector<2048x256xi1>, vector<2048x256xi32>
      %shift_right_logical3A_718 = arith.constant 8 : i32
      %shift_right_logical3A_719 = vector.broadcast %shift_right_logical3A_718 : i32 to vector<2048x1xi32>
      %shift_right_logical3A_720 = arith.shrui %broadcast_in_dim3A_704, %shift_right_logical3A_719 : vector<2048x1xi32>
      %and3A_721 = arith.constant 33554431 : i32
      %and3A_722 = vector.broadcast %and3A_721 : i32 to vector<2048x1xi32>
      %and3A_723 = arith.andi %shift_right_logical3A_720, %and3A_722 : vector<2048x1xi32>
      %or3A_724 = arith.constant 1073741824 : i32
      %or3A_725 = vector.broadcast %or3A_724 : i32 to vector<2048x1xi32>
      %or3A_726 = arith.ori %and3A_723, %or3A_725 : vector<2048x1xi32>
      %bitcast_convert_type3A_727 = tpu.bitcast %or3A_726 : vector<2048x1xi32> -> vector<2048x1xf32>
      %and3A_728 = arith.constant 255 : i32
      %and3A_729 = vector.broadcast %and3A_728 : i32 to vector<2048x1xi32>
      %and3A_730 = arith.andi %broadcast_in_dim3A_704, %and3A_729 : vector<2048x1xi32>
      %and3A_731 = arith.constant 3 : i32
      %and3A_732 = vector.broadcast %and3A_731 : i32 to vector<2048x1xi32>
      %and3A_733 = arith.andi %and3A_730, %and3A_732 : vector<2048x1xi32>
      %sub3A_734 = arith.constant 3 : i32
      %sub3A_735 = vector.broadcast %sub3A_734 : i32 to vector<2048x1xi32>
      %sub3A_736 = arith.subi %sub3A_735, %and3A_733 : vector<2048x1xi32>
      %shift_right_arithmetic3A_737 = arith.constant 2 : i32
      %shift_right_arithmetic3A_738 = vector.broadcast %shift_right_arithmetic3A_737 : i32 to vector<2048x1xi32>
      %shift_right_arithmetic3A_739 = arith.shrsi %and3A_730, %shift_right_arithmetic3A_738 : vector<2048x1xi32>
      %shift_right_arithmetic3A_740 = arith.constant 3 : i32
      %shift_right_arithmetic3A_741 = vector.broadcast %shift_right_arithmetic3A_740 : i32 to vector<2048x1xi32>
      %shift_right_arithmetic3A_742 = arith.shrsi %shift_right_arithmetic3A_739, %shift_right_arithmetic3A_741 : vector<2048x1xi32>
      %sub3A_743 = arith.constant 7 : i32
      %sub3A_744 = vector.broadcast %sub3A_743 : i32 to vector<2048x1xi32>
      %sub3A_745 = arith.subi %sub3A_744, %shift_right_arithmetic3A_742 : vector<2048x1xi32>
      %and3A_746 = arith.constant 7 : i32
      %and3A_747 = vector.broadcast %and3A_746 : i32 to vector<2048x1xi32>
      %and3A_748 = arith.andi %shift_right_arithmetic3A_739, %and3A_747 : vector<2048x1xi32>
      %sub3A_749 = arith.constant 7 : i32
      %sub3A_750 = vector.broadcast %sub3A_749 : i32 to vector<2048x1xi32>
      %sub3A_751 = arith.subi %sub3A_750, %and3A_748 : vector<2048x1xi32>
      %mul3A_752 = arith.constant 4 : i32
      %mul3A_753 = vector.broadcast %mul3A_752 : i32 to vector<2048x1xi32>
      %mul3A_754 = arith.muli %mul3A_753, %sub3A_751 : vector<2048x1xi32>
      %add3A_755 = arith.addi %mul3A_754, %sub3A_736 : vector<2048x1xi32>
      %mul3A_756 = arith.constant 4096 : i32
      %mul3A_757 = vector.broadcast %mul3A_756 : i32 to vector<2048x1xi32>
      %mul3A_758 = arith.muli %sub3A_745, %mul3A_757 : vector<2048x1xi32>
      %add3A_759 = vector.broadcast %mul3A_571 : i32 to vector<2048x1xi32>
      %add3A_760 = arith.addi %add3A_759, %mul3A_758 : vector<2048x1xi32>
      %mul3A_761 = arith.constant 128 : i32
      %mul3A_762 = vector.broadcast %mul3A_761 : i32 to vector<2048x1xi32>
      %mul3A_763 = arith.muli %add3A_755, %mul3A_762 : vector<2048x1xi32>
      %add3A_764 = arith.addi %add3A_760, %mul3A_763 : vector<2048x1xi32>
      %and3A_765 = arith.constant 127 : i32
      %and3A_766 = vector.broadcast %and3A_765 : i32 to vector<2048x1xi32>
      %and3A_767 = arith.andi %broadcast_in_dim3A_712, %and3A_766 : vector<2048x1xi32>
      %add3A_768 = arith.addi %add3A_764, %and3A_767 : vector<2048x1xi32>
      %reduce_max3A_769 = arith.constant dense<-2147483648> : vector<2048xi32>
      %reduce_max3A_770 = vector.multi_reduction <maxsi>, %select_n3A_717, %reduce_max3A_769 [1] : vector<2048x256xi32> to vector<2048xi32>
      %broadcast_in_dim3A_771 = vector.shape_cast %reduce_max3A_770 : vector<2048xi32> to vector<2048x1xi32>
      %eq3A_772 = vector.broadcast %broadcast_in_dim3A_771 : vector<2048x1xi32> to vector<2048x256xi32>
      %eq3A_773 = arith.cmpi eq, %select_n3A_717, %eq3A_772 : vector<2048x256xi32>
      %jit3A_774 = arith.constant 2147483647 : i32
      %broadcast_in_dim3A_775 = vector.broadcast %jit3A_774 : i32 to vector<2048x256xi32>
      %select_n3A_776 = arith.select %eq3A_773, %iota3A_566, %broadcast_in_dim3A_775 : vector<2048x256xi1>, vector<2048x256xi32>
      %reduce_min3A_777 = arith.constant dense<2147483647> : vector<2048xi32>
      %reduce_min3A_778 = vector.multi_reduction <minsi>, %select_n3A_776, %reduce_min3A_777 [1] : vector<2048x256xi32> to vector<2048xi32>
      %broadcast_in_dim3A_779 = vector.shape_cast %reduce_min3A_778 : vector<2048xi32> to vector<2048x1xi32>
      %eq3A_780 = vector.broadcast %broadcast_in_dim3A_779 : vector<2048x1xi32> to vector<2048x256xi32>
      %eq3A_781 = arith.cmpi eq, %select_n3A_776, %eq3A_780 : vector<2048x256xi32>
      %jit3A_782 = arith.constant -2147483648 : i32
      %broadcast_in_dim3A_783 = vector.broadcast %jit3A_782 : i32 to vector<2048x256xi32>
      %select_n3A_784 = arith.select %eq3A_781, %broadcast_in_dim3A_783, %select_n3A_717 : vector<2048x256xi1>, vector<2048x256xi32>
      %shift_right_logical3A_785 = arith.constant 8 : i32
      %shift_right_logical3A_786 = vector.broadcast %shift_right_logical3A_785 : i32 to vector<2048x1xi32>
      %shift_right_logical3A_787 = arith.shrui %broadcast_in_dim3A_771, %shift_right_logical3A_786 : vector<2048x1xi32>
      %and3A_788 = arith.constant 33554431 : i32
      %and3A_789 = vector.broadcast %and3A_788 : i32 to vector<2048x1xi32>
      %and3A_790 = arith.andi %shift_right_logical3A_787, %and3A_789 : vector<2048x1xi32>
      %or3A_791 = arith.constant 1073741824 : i32
      %or3A_792 = vector.broadcast %or3A_791 : i32 to vector<2048x1xi32>
      %or3A_793 = arith.ori %and3A_790, %or3A_792 : vector<2048x1xi32>
      %bitcast_convert_type3A_794 = tpu.bitcast %or3A_793 : vector<2048x1xi32> -> vector<2048x1xf32>
      %and3A_795 = arith.constant 255 : i32
      %and3A_796 = vector.broadcast %and3A_795 : i32 to vector<2048x1xi32>
      %and3A_797 = arith.andi %broadcast_in_dim3A_771, %and3A_796 : vector<2048x1xi32>
      %and3A_798 = arith.constant 3 : i32
      %and3A_799 = vector.broadcast %and3A_798 : i32 to vector<2048x1xi32>
      %and3A_800 = arith.andi %and3A_797, %and3A_799 : vector<2048x1xi32>
      %sub3A_801 = arith.constant 3 : i32
      %sub3A_802 = vector.broadcast %sub3A_801 : i32 to vector<2048x1xi32>
      %sub3A_803 = arith.subi %sub3A_802, %and3A_800 : vector<2048x1xi32>
      %shift_right_arithmetic3A_804 = arith.constant 2 : i32
      %shift_right_arithmetic3A_805 = vector.broadcast %shift_right_arithmetic3A_804 : i32 to vector<2048x1xi32>
      %shift_right_arithmetic3A_806 = arith.shrsi %and3A_797, %shift_right_arithmetic3A_805 : vector<2048x1xi32>
      %shift_right_arithmetic3A_807 = arith.constant 3 : i32
      %shift_right_arithmetic3A_808 = vector.broadcast %shift_right_arithmetic3A_807 : i32 to vector<2048x1xi32>
      %shift_right_arithmetic3A_809 = arith.shrsi %shift_right_arithmetic3A_806, %shift_right_arithmetic3A_808 : vector<2048x1xi32>
      %sub3A_810 = arith.constant 7 : i32
      %sub3A_811 = vector.broadcast %sub3A_810 : i32 to vector<2048x1xi32>
      %sub3A_812 = arith.subi %sub3A_811, %shift_right_arithmetic3A_809 : vector<2048x1xi32>
      %and3A_813 = arith.constant 7 : i32
      %and3A_814 = vector.broadcast %and3A_813 : i32 to vector<2048x1xi32>
      %and3A_815 = arith.andi %shift_right_arithmetic3A_806, %and3A_814 : vector<2048x1xi32>
      %sub3A_816 = arith.constant 7 : i32
      %sub3A_817 = vector.broadcast %sub3A_816 : i32 to vector<2048x1xi32>
      %sub3A_818 = arith.subi %sub3A_817, %and3A_815 : vector<2048x1xi32>
      %mul3A_819 = arith.constant 4 : i32
      %mul3A_820 = vector.broadcast %mul3A_819 : i32 to vector<2048x1xi32>
      %mul3A_821 = arith.muli %mul3A_820, %sub3A_818 : vector<2048x1xi32>
      %add3A_822 = arith.addi %mul3A_821, %sub3A_803 : vector<2048x1xi32>
      %mul3A_823 = arith.constant 4096 : i32
      %mul3A_824 = vector.broadcast %mul3A_823 : i32 to vector<2048x1xi32>
      %mul3A_825 = arith.muli %sub3A_812, %mul3A_824 : vector<2048x1xi32>
      %add3A_826 = vector.broadcast %mul3A_571 : i32 to vector<2048x1xi32>
      %add3A_827 = arith.addi %add3A_826, %mul3A_825 : vector<2048x1xi32>
      %mul3A_828 = arith.constant 128 : i32
      %mul3A_829 = vector.broadcast %mul3A_828 : i32 to vector<2048x1xi32>
      %mul3A_830 = arith.muli %add3A_822, %mul3A_829 : vector<2048x1xi32>
      %add3A_831 = arith.addi %add3A_827, %mul3A_830 : vector<2048x1xi32>
      %and3A_832 = arith.constant 127 : i32
      %and3A_833 = vector.broadcast %and3A_832 : i32 to vector<2048x1xi32>
      %and3A_834 = arith.andi %broadcast_in_dim3A_779, %and3A_833 : vector<2048x1xi32>
      %add3A_835 = arith.addi %add3A_831, %and3A_834 : vector<2048x1xi32>
      %reduce_max3A_836 = arith.constant dense<-2147483648> : vector<2048xi32>
      %reduce_max3A_837 = vector.multi_reduction <maxsi>, %select_n3A_784, %reduce_max3A_836 [1] : vector<2048x256xi32> to vector<2048xi32>
      %broadcast_in_dim3A_838 = vector.shape_cast %reduce_max3A_837 : vector<2048xi32> to vector<2048x1xi32>
      %eq3A_839 = vector.broadcast %broadcast_in_dim3A_838 : vector<2048x1xi32> to vector<2048x256xi32>
      %eq3A_840 = arith.cmpi eq, %select_n3A_784, %eq3A_839 : vector<2048x256xi32>
      %jit3A_841 = arith.constant 2147483647 : i32
      %broadcast_in_dim3A_842 = vector.broadcast %jit3A_841 : i32 to vector<2048x256xi32>
      %select_n3A_843 = arith.select %eq3A_840, %iota3A_566, %broadcast_in_dim3A_842 : vector<2048x256xi1>, vector<2048x256xi32>
      %reduce_min3A_844 = arith.constant dense<2147483647> : vector<2048xi32>
      %reduce_min3A_845 = vector.multi_reduction <minsi>, %select_n3A_843, %reduce_min3A_844 [1] : vector<2048x256xi32> to vector<2048xi32>
      %broadcast_in_dim3A_846 = vector.shape_cast %reduce_min3A_845 : vector<2048xi32> to vector<2048x1xi32>
      %shift_right_logical3A_847 = arith.constant 8 : i32
      %shift_right_logical3A_848 = vector.broadcast %shift_right_logical3A_847 : i32 to vector<2048x1xi32>
      %shift_right_logical3A_849 = arith.shrui %broadcast_in_dim3A_838, %shift_right_logical3A_848 : vector<2048x1xi32>
      %and3A_850 = arith.constant 33554431 : i32
      %and3A_851 = vector.broadcast %and3A_850 : i32 to vector<2048x1xi32>
      %and3A_852 = arith.andi %shift_right_logical3A_849, %and3A_851 : vector<2048x1xi32>
      %or3A_853 = arith.constant 1073741824 : i32
      %or3A_854 = vector.broadcast %or3A_853 : i32 to vector<2048x1xi32>
      %or3A_855 = arith.ori %and3A_852, %or3A_854 : vector<2048x1xi32>
      %bitcast_convert_type3A_856 = tpu.bitcast %or3A_855 : vector<2048x1xi32> -> vector<2048x1xf32>
      %and3A_857 = arith.constant 255 : i32
      %and3A_858 = vector.broadcast %and3A_857 : i32 to vector<2048x1xi32>
      %and3A_859 = arith.andi %broadcast_in_dim3A_838, %and3A_858 : vector<2048x1xi32>
      %and3A_860 = arith.constant 3 : i32
      %and3A_861 = vector.broadcast %and3A_860 : i32 to vector<2048x1xi32>
      %and3A_862 = arith.andi %and3A_859, %and3A_861 : vector<2048x1xi32>
      %sub3A_863 = arith.constant 3 : i32
      %sub3A_864 = vector.broadcast %sub3A_863 : i32 to vector<2048x1xi32>
      %sub3A_865 = arith.subi %sub3A_864, %and3A_862 : vector<2048x1xi32>
      %shift_right_arithmetic3A_866 = arith.constant 2 : i32
      %shift_right_arithmetic3A_867 = vector.broadcast %shift_right_arithmetic3A_866 : i32 to vector<2048x1xi32>
      %shift_right_arithmetic3A_868 = arith.shrsi %and3A_859, %shift_right_arithmetic3A_867 : vector<2048x1xi32>
      %shift_right_arithmetic3A_869 = arith.constant 3 : i32
      %shift_right_arithmetic3A_870 = vector.broadcast %shift_right_arithmetic3A_869 : i32 to vector<2048x1xi32>
      %shift_right_arithmetic3A_871 = arith.shrsi %shift_right_arithmetic3A_868, %shift_right_arithmetic3A_870 : vector<2048x1xi32>
      %sub3A_872 = arith.constant 7 : i32
      %sub3A_873 = vector.broadcast %sub3A_872 : i32 to vector<2048x1xi32>
      %sub3A_874 = arith.subi %sub3A_873, %shift_right_arithmetic3A_871 : vector<2048x1xi32>
      %and3A_875 = arith.constant 7 : i32
      %and3A_876 = vector.broadcast %and3A_875 : i32 to vector<2048x1xi32>
      %and3A_877 = arith.andi %shift_right_arithmetic3A_868, %and3A_876 : vector<2048x1xi32>
      %sub3A_878 = arith.constant 7 : i32
      %sub3A_879 = vector.broadcast %sub3A_878 : i32 to vector<2048x1xi32>
      %sub3A_880 = arith.subi %sub3A_879, %and3A_877 : vector<2048x1xi32>
      %mul3A_881 = arith.constant 4 : i32
      %mul3A_882 = vector.broadcast %mul3A_881 : i32 to vector<2048x1xi32>
      %mul3A_883 = arith.muli %mul3A_882, %sub3A_880 : vector<2048x1xi32>
      %add3A_884 = arith.addi %mul3A_883, %sub3A_865 : vector<2048x1xi32>
      %mul3A_885 = arith.constant 4096 : i32
      %mul3A_886 = vector.broadcast %mul3A_885 : i32 to vector<2048x1xi32>
      %mul3A_887 = arith.muli %sub3A_874, %mul3A_886 : vector<2048x1xi32>
      %add3A_888 = vector.broadcast %mul3A_571 : i32 to vector<2048x1xi32>
      %add3A_889 = arith.addi %add3A_888, %mul3A_887 : vector<2048x1xi32>
      %mul3A_890 = arith.constant 128 : i32
      %mul3A_891 = vector.broadcast %mul3A_890 : i32 to vector<2048x1xi32>
      %mul3A_892 = arith.muli %add3A_884, %mul3A_891 : vector<2048x1xi32>
      %add3A_893 = arith.addi %add3A_889, %mul3A_892 : vector<2048x1xi32>
      %and3A_894 = arith.constant 127 : i32
      %and3A_895 = vector.broadcast %and3A_894 : i32 to vector<2048x1xi32>
      %and3A_896 = arith.andi %broadcast_in_dim3A_846, %and3A_895 : vector<2048x1xi32>
      %add3A_897 = arith.addi %add3A_893, %and3A_896 : vector<2048x1xi32>
      %concatenate3A_898 = tpu.concatenate %bitcast_convert_type3A_594, %bitcast_convert_type3A_660, %bitcast_convert_type3A_727, %bitcast_convert_type3A_794, %bitcast_convert_type3A_856 in 1 : vector<2048x1xf32>, vector<2048x1xf32>, vector<2048x1xf32>, vector<2048x1xf32>, vector<2048x1xf32> -> vector<2048x5xf32>
      %concatenate3A_899 = tpu.concatenate %add3A_634, %add3A_701, %add3A_768, %add3A_835, %add3A_897 in 1 : vector<2048x1xi32>, vector<2048x1xi32>, vector<2048x1xi32>, vector<2048x1xi32>, vector<2048x1xi32> -> vector<2048x5xi32>
      %get3A_900 = arith.constant 0 : index
      %get3A_901 = arith.constant 0 : index
      %get3A_902 = vector.load %arg6[%get3A_900, %get3A_901] : memref<2048x5xf32, #tpu.memory_space<vmem>>, vector<2048x5xf32>
      %concatenate3A_903 = tpu.concatenate %get3A_902, %concatenate3A_898 in 1 : vector<2048x5xf32>, vector<2048x5xf32> -> vector<2048x10xf32>
      %get3A_904 = arith.constant 0 : index
      %get3A_905 = arith.constant 0 : index
      %get3A_906 = vector.load %arg7[%get3A_904, %get3A_905] : memref<2048x5xi32, #tpu.memory_space<vmem>>, vector<2048x5xi32>
      %concatenate3A_907 = tpu.concatenate %get3A_906, %concatenate3A_899 in 1 : vector<2048x5xi32>, vector<2048x5xi32> -> vector<2048x10xi32>
      %reduce_max3A_908 = arith.constant dense<0xFF800000> : vector<2048xf32>
      %reduce_max3A_909 = vector.multi_reduction <maximumf>, %concatenate3A_903, %reduce_max3A_908 [1] : vector<2048x10xf32> to vector<2048xf32>
      %broadcast_in_dim3A_910 = vector.shape_cast %reduce_max3A_909 : vector<2048xf32> to vector<2048x1xf32>
      %eq3A_911 = vector.broadcast %broadcast_in_dim3A_910 : vector<2048x1xf32> to vector<2048x10xf32>
      %eq3A_912 = arith.cmpf oeq, %concatenate3A_903, %eq3A_911 : vector<2048x10xf32>
      %jit3A_913 = arith.constant 2147483647 : i32
      %broadcast_in_dim3A_914 = vector.broadcast %jit3A_913 : i32 to vector<2048x10xi32>
      %select_n3A_915 = arith.select %eq3A_912, %concatenate3A_907, %broadcast_in_dim3A_914 : vector<2048x10xi1>, vector<2048x10xi32>
      %reduce_min3A_916 = arith.constant dense<2147483647> : vector<2048xi32>
      %reduce_min3A_917 = vector.multi_reduction <minsi>, %select_n3A_915, %reduce_min3A_916 [1] : vector<2048x10xi32> to vector<2048xi32>
      %broadcast_in_dim3A_918 = vector.shape_cast %reduce_min3A_917 : vector<2048xi32> to vector<2048x1xi32>
      %eq3A_919 = vector.broadcast %broadcast_in_dim3A_918 : vector<2048x1xi32> to vector<2048x10xi32>
      %eq3A_920 = arith.cmpi eq, %select_n3A_915, %eq3A_919 : vector<2048x10xi32>
      %jit3A_921 = arith.constant -3.000000e+00 : f32
      %broadcast_in_dim3A_922 = vector.broadcast %jit3A_921 : f32 to vector<2048x10xf32>
      %select_n3A_923 = arith.select %eq3A_920, %broadcast_in_dim3A_922, %concatenate3A_903 : vector<2048x10xi1>, vector<2048x10xf32>
      %reduce_max3A_924 = arith.constant dense<0xFF800000> : vector<2048xf32>
      %reduce_max3A_925 = vector.multi_reduction <maximumf>, %select_n3A_923, %reduce_max3A_924 [1] : vector<2048x10xf32> to vector<2048xf32>
      %broadcast_in_dim3A_926 = vector.shape_cast %reduce_max3A_925 : vector<2048xf32> to vector<2048x1xf32>
      %eq3A_927 = vector.broadcast %broadcast_in_dim3A_926 : vector<2048x1xf32> to vector<2048x10xf32>
      %eq3A_928 = arith.cmpf oeq, %select_n3A_923, %eq3A_927 : vector<2048x10xf32>
      %jit3A_929 = arith.constant 2147483647 : i32
      %broadcast_in_dim3A_930 = vector.broadcast %jit3A_929 : i32 to vector<2048x10xi32>
      %select_n3A_931 = arith.select %eq3A_928, %concatenate3A_907, %broadcast_in_dim3A_930 : vector<2048x10xi1>, vector<2048x10xi32>
      %reduce_min3A_932 = arith.constant dense<2147483647> : vector<2048xi32>
      %reduce_min3A_933 = vector.multi_reduction <minsi>, %select_n3A_931, %reduce_min3A_932 [1] : vector<2048x10xi32> to vector<2048xi32>
      %broadcast_in_dim3A_934 = vector.shape_cast %reduce_min3A_933 : vector<2048xi32> to vector<2048x1xi32>
      %eq3A_935 = vector.broadcast %broadcast_in_dim3A_934 : vector<2048x1xi32> to vector<2048x10xi32>
      %eq3A_936 = arith.cmpi eq, %select_n3A_931, %eq3A_935 : vector<2048x10xi32>
      %jit3A_937 = arith.constant -3.000000e+00 : f32
      %broadcast_in_dim3A_938 = vector.broadcast %jit3A_937 : f32 to vector<2048x10xf32>
      %select_n3A_939 = arith.select %eq3A_936, %broadcast_in_dim3A_938, %select_n3A_923 : vector<2048x10xi1>, vector<2048x10xf32>
      %reduce_max3A_940 = arith.constant dense<0xFF800000> : vector<2048xf32>
      %reduce_max3A_941 = vector.multi_reduction <maximumf>, %select_n3A_939, %reduce_max3A_940 [1] : vector<2048x10xf32> to vector<2048xf32>
      %broadcast_in_dim3A_942 = vector.shape_cast %reduce_max3A_941 : vector<2048xf32> to vector<2048x1xf32>
      %eq3A_943 = vector.broadcast %broadcast_in_dim3A_942 : vector<2048x1xf32> to vector<2048x10xf32>
      %eq3A_944 = arith.cmpf oeq, %select_n3A_939, %eq3A_943 : vector<2048x10xf32>
      %jit3A_945 = arith.constant 2147483647 : i32
      %broadcast_in_dim3A_946 = vector.broadcast %jit3A_945 : i32 to vector<2048x10xi32>
      %select_n3A_947 = arith.select %eq3A_944, %concatenate3A_907, %broadcast_in_dim3A_946 : vector<2048x10xi1>, vector<2048x10xi32>
      %reduce_min3A_948 = arith.constant dense<2147483647> : vector<2048xi32>
      %reduce_min3A_949 = vector.multi_reduction <minsi>, %select_n3A_947, %reduce_min3A_948 [1] : vector<2048x10xi32> to vector<2048xi32>
      %broadcast_in_dim3A_950 = vector.shape_cast %reduce_min3A_949 : vector<2048xi32> to vector<2048x1xi32>
      %eq3A_951 = vector.broadcast %broadcast_in_dim3A_950 : vector<2048x1xi32> to vector<2048x10xi32>
      %eq3A_952 = arith.cmpi eq, %select_n3A_947, %eq3A_951 : vector<2048x10xi32>
      %jit3A_953 = arith.constant -3.000000e+00 : f32
      %broadcast_in_dim3A_954 = vector.broadcast %jit3A_953 : f32 to vector<2048x10xf32>
      %select_n3A_955 = arith.select %eq3A_952, %broadcast_in_dim3A_954, %select_n3A_939 : vector<2048x10xi1>, vector<2048x10xf32>
      %reduce_max3A_956 = arith.constant dense<0xFF800000> : vector<2048xf32>
      %reduce_max3A_957 = vector.multi_reduction <maximumf>, %select_n3A_955, %reduce_max3A_956 [1] : vector<2048x10xf32> to vector<2048xf32>
      %broadcast_in_dim3A_958 = vector.shape_cast %reduce_max3A_957 : vector<2048xf32> to vector<2048x1xf32>
      %eq3A_959 = vector.broadcast %broadcast_in_dim3A_958 : vector<2048x1xf32> to vector<2048x10xf32>
      %eq3A_960 = arith.cmpf oeq, %select_n3A_955, %eq3A_959 : vector<2048x10xf32>
      %jit3A_961 = arith.constant 2147483647 : i32
      %broadcast_in_dim3A_962 = vector.broadcast %jit3A_961 : i32 to vector<2048x10xi32>
      %select_n3A_963 = arith.select %eq3A_960, %concatenate3A_907, %broadcast_in_dim3A_962 : vector<2048x10xi1>, vector<2048x10xi32>
      %reduce_min3A_964 = arith.constant dense<2147483647> : vector<2048xi32>
      %reduce_min3A_965 = vector.multi_reduction <minsi>, %select_n3A_963, %reduce_min3A_964 [1] : vector<2048x10xi32> to vector<2048xi32>
      %broadcast_in_dim3A_966 = vector.shape_cast %reduce_min3A_965 : vector<2048xi32> to vector<2048x1xi32>
      %eq3A_967 = vector.broadcast %broadcast_in_dim3A_966 : vector<2048x1xi32> to vector<2048x10xi32>
      %eq3A_968 = arith.cmpi eq, %select_n3A_963, %eq3A_967 : vector<2048x10xi32>
      %jit3A_969 = arith.constant -3.000000e+00 : f32
      %broadcast_in_dim3A_970 = vector.broadcast %jit3A_969 : f32 to vector<2048x10xf32>
      %select_n3A_971 = arith.select %eq3A_968, %broadcast_in_dim3A_970, %select_n3A_955 : vector<2048x10xi1>, vector<2048x10xf32>
      %reduce_max3A_972 = arith.constant dense<0xFF800000> : vector<2048xf32>
      %reduce_max3A_973 = vector.multi_reduction <maximumf>, %select_n3A_971, %reduce_max3A_972 [1] : vector<2048x10xf32> to vector<2048xf32>
      %broadcast_in_dim3A_974 = vector.shape_cast %reduce_max3A_973 : vector<2048xf32> to vector<2048x1xf32>
      %eq3A_975 = vector.broadcast %broadcast_in_dim3A_974 : vector<2048x1xf32> to vector<2048x10xf32>
      %eq3A_976 = arith.cmpf oeq, %select_n3A_971, %eq3A_975 : vector<2048x10xf32>
      %jit3A_977 = arith.constant 2147483647 : i32
      %broadcast_in_dim3A_978 = vector.broadcast %jit3A_977 : i32 to vector<2048x10xi32>
      %select_n3A_979 = arith.select %eq3A_976, %concatenate3A_907, %broadcast_in_dim3A_978 : vector<2048x10xi1>, vector<2048x10xi32>
      %reduce_min3A_980 = arith.constant dense<2147483647> : vector<2048xi32>
      %reduce_min3A_981 = vector.multi_reduction <minsi>, %select_n3A_979, %reduce_min3A_980 [1] : vector<2048x10xi32> to vector<2048xi32>
      %broadcast_in_dim3A_982 = vector.shape_cast %reduce_min3A_981 : vector<2048xi32> to vector<2048x1xi32>
      %concatenate3A_983 = tpu.concatenate %broadcast_in_dim3A_910, %broadcast_in_dim3A_926, %broadcast_in_dim3A_942, %broadcast_in_dim3A_958, %broadcast_in_dim3A_974 in 1 : vector<2048x1xf32>, vector<2048x1xf32>, vector<2048x1xf32>, vector<2048x1xf32>, vector<2048x1xf32> -> vector<2048x5xf32>
      %concatenate3A_984 = tpu.concatenate %broadcast_in_dim3A_918, %broadcast_in_dim3A_934, %broadcast_in_dim3A_950, %broadcast_in_dim3A_966, %broadcast_in_dim3A_982 in 1 : vector<2048x1xi32>, vector<2048x1xi32>, vector<2048x1xi32>, vector<2048x1xi32>, vector<2048x1xi32> -> vector<2048x5xi32>
      %swap3A_985 = arith.constant 0 : index
      %swap3A_986 = arith.constant 0 : index
      %swap3A_987 = vector.load %arg6[%swap3A_985, %swap3A_986] : memref<2048x5xf32, #tpu.memory_space<vmem>>, vector<2048x5xf32>
      tpu.vector_store %arg6[%swap3A_985, %swap3A_986], %concatenate3A_983 {strides = array<i32>} : memref<2048x5xf32, #tpu.memory_space<vmem>>, vector<2048x5xf32>,
      %swap3A_988 = arith.constant 0 : index
      %swap3A_989 = arith.constant 0 : index
      %swap3A_990 = vector.load %arg7[%swap3A_988, %swap3A_989] : memref<2048x5xi32, #tpu.memory_space<vmem>>, vector<2048x5xi32>
      tpu.vector_store %arg7[%swap3A_988, %swap3A_989], %concatenate3A_984 {strides = array<i32>} : memref<2048x5xi32, #tpu.memory_space<vmem>>, vector<2048x5xi32>,
    } else {
    }
    %eq3A_561 = arith.constant 24 : i32
    %eq3A_562 = arith.cmpi eq, %arg0, %eq3A_561 : i32
    %convert_element_type3A_563 = arith.extui %eq3A_562 : i1 to i32
    %cond3A_564 = arith.constant 0 : i32
    %cond3A_565 = arith.cmpi ne, %convert_element_type3A_563, %cond3A_564 : i32
    scf.if %cond3A_565 {
      %get3A_566 = arith.constant 0 : index
      %get3A_567 = arith.constant 0 : index
      %get3A_568 = vector.load %arg6[%get3A_566, %get3A_567] : memref<2048x5xf32, #tpu.memory_space<vmem>>, vector<2048x5xf32>
      %reduce_max3A = arith.constant dense<0xFF800000> : vector<2048xf32>
      %reduce_max3A_569 = vector.multi_reduction <maximumf>, %get3A_568, %reduce_max3A [1] : vector<2048x5xf32> to vector<2048xf32>
      %broadcast_in_dim3A_570 = vector.shape_cast %reduce_max3A_569 : vector<2048xf32> to vector<2048x1xf32>
      %sub3A_571 = vector.broadcast %broadcast_in_dim3A_570 : vector<2048x1xf32> to vector<2048x5xf32>
      %sub3A_572 = arith.subf %get3A_568, %sub3A_571 : vector<2048x5xf32>
      %mul3A_573 = arith.constant 1.000000e+01 : f32
      %mul3A_574 = vector.broadcast %mul3A_573 : f32 to vector<2048x5xf32>
      %mul3A_575 = arith.mulf %sub3A_572, %mul3A_574 : vector<2048x5xf32>
      %exp3A = math.exp %mul3A_575 : vector<2048x5xf32>
      %reduce_sum3A_576 = arith.constant dense<0.000000e+00> : vector<2048xf32>
      %reduce_sum3A_577 = vector.multi_reduction <add>, %exp3A, %reduce_sum3A_576 [1] : vector<2048x5xf32> to vector<2048xf32>
      %broadcast_in_dim3A_578 = vector.shape_cast %reduce_sum3A_577 : vector<2048xf32> to vector<2048x1xf32>
      %div3A_579 = vector.broadcast %broadcast_in_dim3A_578 : vector<2048x1xf32> to vector<2048x5xf32>
      %div3A_580 = arith.divf %exp3A, %div3A_579 : vector<2048x5xf32>
      %mul3A_581 = arith.constant 5.000000e-01 : f32
      %mul3A_582 = vector.broadcast %mul3A_581 : f32 to vector<2048x5xf32>
      %mul3A_583 = arith.mulf %mul3A_582, %div3A_580 : vector<2048x5xf32>
      %swap3A_584 = arith.constant 0 : index
      %swap3A_585 = arith.constant 0 : index
      %swap3A_586 = vector.load %arg3[%swap3A_584, %swap3A_585] : memref<2048x5xf32, #tpu.memory_space<vmem>>, vector<2048x5xf32>
      tpu.vector_store %arg3[%swap3A_584, %swap3A_585], %mul3A_583 {strides = array<i32>} : memref<2048x5xf32, #tpu.memory_space<vmem>>, vector<2048x5xf32>,
      %get3A_587 = arith.constant 0 : index
      %get3A_588 = arith.constant 0 : index
      %get3A_589 = vector.load %arg7[%get3A_587, %get3A_588] : memref<2048x5xi32, #tpu.memory_space<vmem>>, vector<2048x5xi32>
      %swap3A_590 = arith.constant 0 : index
      %swap3A_591 = arith.constant 0 : index
      %swap3A_592 = vector.load %arg4[%swap3A_590, %swap3A_591] : memref<2048x5xi32, #tpu.memory_space<vmem>>, vector<2048x5xi32>
      tpu.vector_store %arg4[%swap3A_590, %swap3A_591], %get3A_589 {strides = array<i32>} : memref<2048x5xi32, #tpu.memory_space<vmem>>, vector<2048x5xi32>,
    } else {
    }
    return
  }
  func.func @transform_0(%arg0: i32) -> (i32, i32) {
    %c0_i32 = arith.constant 0 : i32
    %c0_i32_0 = arith.constant 0 : i32
    %c0_i32_1 = arith.constant 0 : i32
    return %c0_i32, %c0_i32_0 : i32, i32
  }
  func.func @transform_1(%arg0: i32) -> (i32, i32) {
    %c0_i32 = arith.constant 0 : i32
    %c0_i32_0 = arith.constant 0 : i32
    return %arg0, %c0_i32 : i32, i32
  }
  func.func @transform_2(%arg0: i32) -> (i32, i32) {
    %c0_i32 = arith.constant 0 : i32
    %c0_i32_0 = arith.constant 0 : i32
    %c0_i32_1 = arith.constant 0 : i32
    return %c0_i32, %c0_i32_0 : i32, i32
  }
  func.func @transform_3(%arg0: i32) -> (i32, i32) {
    %c0_i32 = arith.constant 0 : i32
    %c0_i32_0 = arith.constant 0 : i32
    %c0_i32_1 = arith.constant 0 : i32
    return %c0_i32, %c0_i32_0 : i32, i32
  }
}

</mosaic_0001>

<sc_bundles>
// kernel: kernel.4.cloned.1.call-start
scs
__scs_entry_jumppad:
0x0: {  	(pc) =	sbr.rel $0x88, $3  }
0x1: {  	(tag) =	ssettag $0x0;
	lr =	simm.s32 $0x1  }
0x2: {  	[smem:$0x3F9F] =	sst lr;
	_ =	strace $0xD0000000  }
0x3: {  	_ = 	snop  }
0x4: {  	_ = 	snop  }
0x5: {  	_ = 	snop  }
0x6: {  	_ = 	snop  }
0x7: {  	_ = 	snop  }
__scs_overlays_trampoline_lowered:
0x8: {  	[smem:$0x3FAE] =	sst s0  }
0x9: {  	[smem:$0x3FAF] =	sst s1  }
0xa: {  	[smem:$0x3FB0] =	sst s2  }
0xb: {  	[smem:$0x3FB1] =	sst s3  }
0xc: {  	[smem:$0x3FB2] =	sst s4  }
0xd: {  	[smem:$0x3FB3] =	sst s5  }
0xe: {  	[smem:$0x3FB4] =	sst s6  }
0xf: {  	[smem:$0x3FB5] =	sst s7  }
0x10: {  	[smem:$0x3FB6] =	sst s8  }
0x11: {  	[smem:$0x3FB7] =	sst s9;
	s0 =	simm.s32 @!p0 $0x0  }
0x12: {  	s1 =	sld [smem:$0x3F9D];
	s0 =	simm.s32 @p0 $0x1  }
0x13: {  	[smem:$0x3FB8] =	sst s0;
	s0 =	simm.s32 @!p1 $0x0  }
0x14: {  	s2 =	sld [smem:$0x3F9C];
	s0 =	simm.s32 @p1 $0x1  }
0x15: {  	[smem:$0x3FB9] =	sst s0;
	s0 =	simm.s32 @!p2 $0x0  }
0x16: {  	s3 =	sld [smem:$0x3FDB];
	s0 =	simm.s32 @p2 $0x1  }
0x17: {  	s4 =	simm.s32 $0x1BF5;
	[smem:$0x3FBB] =	sst s0  }
0x18: {  	s0 =	sld [smem:$0x3F9E];
	_ =	swait.ge [sflag:s4], $0x0  }
0x19: {  	s7 =	sld [smem:$0x3F9F]  }
0x1a: {  	s8 =	sadd.s32 $0xFFFFE003, lr  }
0x1b: {  	s9 =	sadd.s32 $0xFFFFFEF7, lr;
	s5 =	simm.s32 $0xFFFFFFFF;
	p2 =	slt.u32 s8, $0xFFFFF086  }
0x1c: {  	p1 =	slt.u32 s9, $0xF7A;
	s5 =	simm.s32 @!p2 $0x0  }
0x1d: {  	s5 =	simm.s32 @p1 $0x1;
	p0 =	seq.s32 s7, s2  }
0x1e: {  	s7 =	smul.u32 @!p0 $0xF7A, s2;
	p2 =	seq.s32 @!p0 s5, $0x0  }
0x1f: {  	s9 =	smul.u32 $0xF7A, s1;
	s8 =	simm.s32 @!p0 $0x1BF5;
	p2 =	por !p2, p0  }
0x20: {  	[sflag:s8] =	ssyncset.s32 @!p0 $0xFFFFF086;
	s6 =	sadd.s32 @!p0 s3, s7;
	s7 =	simm.s32 @!p0 $0x108  }
0x21: {  	s3 =	sadd.s32 s3, s9;
	s6 =	sadd.s32 @!p0 $0x88, s6;
	s7 =	simm.s32 @p2 $0x1082  }
0x22: {  	[simem:s7], [sflag:s8] =	dma.local @!p0 [hbm:s6], $0xF7A  }
0x23: {  	s9 =	sor.u32 $0xD0000000, s2;
	s6 =	simm.s32 $0x108;
	_ =	swait.ge @!p0 [sflag:s8], $0x0  }
0x24: {  	s3 =	sadd.s32 $0x88, s3;
	s6 =	simm.s32 @!p1 $0x1082;
	[sflag:s4] =	ssyncset.s32 $0xFFFFF086  }
0x25: {  	[simem:s6], [sflag:s4] =	dma.local [hbm:s3], $0xF7A  }
0x26: {  	[smem:$0x3F9F] =	sst s1;
	(tag) =	ssettag s2;
	_ =	strace s9  }
0x27: {  	s1 =	sld [smem:$0x3FAF]  }
0x28: {  	s2 =	sld [smem:$0x3FB0]  }
0x29: {  	s4 =	sld [smem:$0x3FB2]  }
0x2a: {  	p0 =	seq.s32 s5, $0x0;
	s5 =	sld [smem:$0x3FB3]  }
0x2b: {  	s6 =	sld [smem:$0x3FB4]  }
0x2c: {  	s7 =	sld [smem:$0x3FB5]  }
0x2d: {  	s3 =	simm.s32 $0x108;
	s8 =	sld [smem:$0x3FB6]  }
0x2e: {  	s3 =	simm.s32 @!p0 $0x1082;
	s9 =	sld [smem:$0x3FB7]  }
0x2f: {  	lr =	sadd.s32 s0, s3;
	s0 =	sld [smem:$0x3FAE]  }
0x30: {  	s3 =	sld [smem:$0x3FB1]  }
0x31: {  	[smem:$0x3FBA] =	sst s10  }
0x32: {  	s10 =	sld [smem:$0x3FB8];
	_ =	sdelay $0x3  }
0x33: {  	p0 =	seq.s32 s10, $0x1;
	s10 =	sld [smem:$0x3FBA];
	_ =	sdelay $0x3  }
0x34: {  	[smem:$0x3FBA] =	sst s10  }
0x35: {  	s10 =	sld [smem:$0x3FB9];
	_ =	sdelay $0x3  }
0x36: {  	p1 =	seq.s32 s10, $0x1;
	s10 =	sld [smem:$0x3FBA];
	_ =	sdelay $0x3  }
0x37: {  	[smem:$0x3FBA] =	sst s10  }
0x38: {  	s10 =	sld [smem:$0x3FBB]  }
0x39: {  	_ = 	snop;
	(pc) =	sbr.ind lr, $3  }
0x3a: {  	_ = 	snop  }
0x3b: {  	_ = 	snop  }
0x3c: {  	p2 =	seq.s32 s10, $0x1;
	s10 =	sld [smem:$0x3FBA]  }
0x3d: {  	_ =	shalt  }
0x3e: {  	_ =	shalt  }
0x3f: {  	_ =	shalt  }
0x40: {  	_ =	shalt  }
0x41: {  	_ =	shalt  }
0x42: {  	_ =	shalt  }
0x43: {  	_ =	shalt  }
0x44: {  	_ =	shalt  }
0x45: {  	_ =	shalt  }
0x46: {  	_ =	shalt  }
0x47: {  	_ =	shalt  }
0x48: {  	_ =	shalt  }
0x49: {  	_ =	shalt  }
0x4a: {  	_ =	shalt  }
0x4b: {  	_ =	shalt  }
0x4c: {  	_ =	shalt  }
0x4d: {  	_ =	shalt  }
0x4e: {  	_ =	shalt  }
0x4f: {  	_ =	shalt  }
0x50: {  	_ =	shalt  }
0x51: {  	_ =	shalt  }
0x52: {  	_ =	shalt  }
0x53: {  	_ =	shalt  }
0x54: {  	_ =	shalt  }
0x55: {  	_ =	shalt  }
0x56: {  	_ =	shalt  }
0x57: {  	_ =	shalt  }
0x58: {  	_ =	shalt  }
0x59: {  	_ =	shalt  }
0x5a: {  	_ =	shalt  }
0x5b: {  	_ =	shalt  }
0x5c: {  	_ =	shalt  }
0x5d: {  	_ =	shalt  }
0x5e: {  	_ =	shalt  }
0x5f: {  	_ =	shalt  }
0x60: {  	_ =	shalt  }
0x61: {  	_ =	shalt  }
0x62: {  	_ =	shalt  }
0x63: {  	_ =	shalt  }
0x64: {  	_ =	shalt  }
0x65: {  	_ =	shalt  }
0x66: {  	_ =	shalt  }
0x67: {  	_ =	shalt  }
0x68: {  	_ =	shalt  }
0x69: {  	_ =	shalt  }
0x6a: {  	_ =	shalt  }
0x6b: {  	_ =	shalt  }
0x6c: {  	_ =	shalt  }
0x6d: {  	_ =	shalt  }
0x6e: {  	_ =	shalt  }
0x6f: {  	_ =	shalt  }
0x70: {  	_ =	shalt  }
0x71: {  	_ =	shalt  }
0x72: {  	_ =	shalt  }
0x73: {  	_ =	shalt  }
0x74: {  	_ =	shalt  }
0x75: {  	_ =	shalt  }
0x76: {  	_ =	shalt  }
0x77: {  	_ =	shalt  }
0x78: {  	_ =	shalt  }
0x79: {  	_ =	shalt  }
0x7a: {  	_ =	shalt  }
0x7b: {  	_ =	shalt  }
0x7c: {  	_ =	shalt  }
0x7d: {  	_ =	shalt  }
0x7e: {  	_ =	shalt  }
0x7f: {  	_ =	shalt  }
0x80: {  	_ =	shalt  }
0x81: {  	_ =	shalt  }
0x82: {  	_ =	shalt  }
0x83: {  	_ =	shalt  }
0x84: {  	_ =	shalt  }
0x85: {  	_ =	shalt  }
0x86: {  	_ =	shalt  }
0x87: {  	_ =	shalt  }
.Lfunc_end0:
.L_simem_size_0:
called_computation_lowered:
.L_overlay_start_0:
0x88: {  	s2 =	sld [smem:$0x3FD9]  }
0x89: {  	s3 =	sld [smem:$0x3FFE];
	_ =	sdelay $0x1  }
0x8a: {  	s1 =	srdreg.scid  }
0x8b: {  	s0 =	sand.u32 $0x1, s1  }
0x8c: {  	s17 =	sshll.u32 s0, $0xA;
	s2 =	sadd.s32 s3, s2  }
0x8d: {  	s2 =	sadd.s32 s2, s17  }
0x8e: {  	[smem:$0x3FC6] =	sst s2  }
0x8f: {  	_ = 	snop  }
0x90: {  	s2 =	sld [smem:$0x3FD0];
	(tm) =	ssettm $0x1  }
0x91: {  	s18 =	sld [smem:$0x3FFB];
	_ =	sdelay $0x3  }
0x92: {  	_ =	strace s18  }
0x93: {  	s3 =	sld [smem:$0x3FFC];
	_ =	sdelay $0x3  }
0x94: {  	_ =	strace s3  }
0x95: {  	s3 =	sld [smem:$0x3FFD];
	_ =	sdelay $0x3  }
0x96: {  	_ =	strace s3  }
0x97: {  	_ =	strace $0x8FFFFFFF  }
0x98: {  	s19 =	sld [smem:$0x3FDB];
	_ =	sdelay $0x1  }
0x99: {  	s4 =	simm.s32 $_scs_section_size  }
0x9a: {  	s5 =	simm.s32 $_size__tile_overlayer_lowered;
	s6 =	simm.s32 $_tile_overlayer_lowered  }
0x9b: {  	s22 =	simm.s32 $0x1BFF;
	s21 =	sshll.u32 s6, $0x1;
	s3 =	sadd.s32 s4, s19  }
0x9c: {  	s7 =	simm.s32 $0x0;
	s20 =	sshll.u32 s5, $0x1;
	s5 =	sadd.s32 s21, s3  }
0x9d: {  	[timem:s7], [sflag:s22] =	dma.local [hbm:s5], s20  }
0x9e: {  	_ =	swait.ge [sflag:s22], s20  }
0x9f: {  	s4 =	ssub.s32 $0x0, s20;
	[sflag:s22] =	ssyncset.done $0x0  }
0xa0: {  	[sflag:s22] =	ssyncadd.s32 s4;
	_ =	sdelay $0x1  }
0xa1: {  	s23 =	simm.s32 $0x1B8B  }
0xa2: {  	_ =	swait.ge [sflag:s23], $0x1  }
0xa3: {  	[sflag:s23] =	ssyncset.done $0x0  }
0xa4: {  	s25 =	simm.s32 $0x1B8E;
	s24 =	sld [smem:$0x3FFE];
	[sflag:s23] =	ssyncadd.s32 $0xFFFFFFFF  }
0xa5: {  	s26 =	simm.s32 $execute0_lowered;
	[smem:$0x3FD2] =	sst s25  }
0xa6: {  	s5 =	sshll.u32 s26, $0x1;
	_ =	strace $0x80000046;
	[dreg:$0x1] =	wrdreg $0xFFFFFFFF  }
0xa7: {  	s28 =	simm.s32 $_size_execute0_lowered;
	s3 =	sadd.s32 s3, s5;
	[dreg:$0x0] =	wrdreg $0x0  }
0xa8: {  	s5 =	sshll.u32 s28, $0x1;
	[dreg:$0x2] =	wrdreg s3  }
0xa9: {  	[dreg:$0x3] =	wrdreg s5  }
0xaa: {  	[dreg:$0x4] =	wrdreg $0xC0  }
0xab: {  	_ =	task [dreg:s7], $0x5FFFF  }
0xac: {  	[dreg:$0x1] =	wrdreg $0xFFFFFFFF  }
0xad: {  	[dreg:$0x0] =	wrdreg $0x60  }
0xae: {  	[dreg:$0x2] =	wrdreg s24  }
0xaf: {  	[dreg:$0x3] =	wrdreg s2  }
0xb0: {  	[dreg:$0x4] =	wrdreg $0x9  }
0xb1: {  	_ =	task.clear_ibuf [dreg:s7], $0x5FFFF;
	_ =	strace $0x90000046  }
0xb2: {  	s29 =	simm.s32 $0x9;
	_ =	strace $0x80000048  }
0xb3: {  	_ =	swait.ge [sflag:s29], $0x1  }
0xb4: {  	[sflag:s29] =	ssyncadd.s32 $0xFFFFFFFF  }
0xb5: {  	_ =	strace $0x90000048  }
0xb6: {  	_ =	sfence  }
0xb7: {  	s30 =	sld [smem:$0x0];
	_ =	sdelay $0x2  }
0xb8: {  	s31 =	sshll.u32 s1, $0xD;
	s1 =	sshrl.u32 s1, $0x2  }
0xb9: {  	s3 =	sand.u32 $0x4000, s31;
	s1 =	sadd.s32 s1, s30  }
0xba: {  	s0 =	sor.u32 s3, s0;
	s1 =	sshll.u32 s1, $0x11  }
0xbb: {  	s0 =	sor.u32 s1, s0  }
0xbc: {  	s0 =	sadd.s32 $0x8F2B, s0  }
0xbd: {  	[sflag:s0] =	ssyncadd.remote.s32 $0x1  }
0xbe: {  	_ =	sfence.sel $0xFFFF  }
0xbf: {  	[dreg:$0x0] =	wrdreg $0xFFFFFFFF;
	(pc) =	sbr.abs _section_cstart, $3  }
0xc0: {  	[dreg:$0x1] =	wrdreg $0xFFFFFFFF  }
0xc1: {  	_ =	task.clear_ibuf [dreg:s7], $0x2FFFF;
	_ =	strace $0x9FFFFFFF  }
0xc2: {  	(tm) =	ssettm $0x7FFFFFFF  }
0xc3: {  	_ =	shalt  }
tec
execute0_lowered:
.L_overlay_start_1:
0x0: {  	(tag) =	ssettag $0x1  }
0x1: {  	s4 =	rddreg [dreg:$0x0]  }
0x2: {  	s5 =	rddreg [dreg:$0x1]  }
0x3: {  	s0 =	rddreg [dreg:$0x2]  }
0x4: {  	s3 =	srdreg.scid;
	s1 =	stileid.u32;
	s2 =	simm.s32 $0x0  }
0x5: {  	s12 =	simm.s32 $0x6140;
	s13 =	simm.s32 $0x1;
	s14 =	simm.s32 $0x7540  }
0x6: {  	s15 =	simm.s32 $0x0;
	s6 =	sand.u32 $0x1, s3;
	s31 =	sshll.u32 s1, $0x1  }
0x7: {  	[smem:$0x7FF] =	sst s2;
	s3 =	sadd.s32 $0x187200, s4;
	s7 =	sor.u32 s6, s31  }
0x8: {  	_ =	strace $0x80000047;
	s6 =	ssub.s32 $0x2, s6;
	s8 =	smul.u32 $0x280, s7  }
0x9: {  	s9 =	smul.u32 $0x28, s7;
	s7 =	sshll.u32 s7, $0x9;
	s10 =	sshrl.u32 s6, $0x1  }
0xa: {  	s11 =	sadd.s32 s7, s4;
	s10 =	ssub.s32 s6, s10;
	s5 =	sadd.s32 s5, s7  }
0xb: {  	s8 =	sadd.s32 s8, s4;
	s9 =	sadd.s32 s9, s4;
	s7 =	sadd.s32 $0x5E00, s11  }
0xc: {  	s11 =	simm.s32 $0x5140;
	s4 =	sadd.s32 $0x5800, s9;
	s6 =	sadd.s32 $0x800, s8  }
0xd: {  	s8 =	smax.u32 s10, $0x1;
	s9 =	simm.s32 $0x2;
	s10 =	simm.s32 $0x140  }
.LBB2_1:
0xe: {  	[tilespmem:s2], [sflag:$0x2] =	stream.linear.gather [hbm4b:s4+s2], $0x140, $0x38;
	[tilespmem:$0x8540] =	vst v63  }
0xf: {  	_ =	swait.ge [sflag:s9], $0x140  }
0x10: {  	[sflag:s9] =	ssyncset.done $0x0  }
0x11: {  	[sflag:s9] =	ssyncadd.s32 $0xFFFFFEC0  }
0x12: {  	[tilespmem:s10], [sflag:$0x1] =	stream.indirect.gather [hbm4b:s3+s10], $0x40, s2, s10, $0xb8;
	[tilespmem:$0x8540] =	vst v63  }
0x13: {  	_ = 	snop  }
0x14: {  	[tilespmem:s11], [sflag:$0x2] =	stream.linear.gather [hbm4b:s5+s2], $0x1000, $0x38;
	[tilespmem:$0x8540] =	vst v63  }
0x15: {  	_ =	swait.ge [sflag:s9], $0x1000  }
0x16: {  	[sflag:s9] =	ssyncset.done $0x0  }
0x17: {  	[sflag:s9] =	ssyncadd.s32 $0xFFFFF000  }
0x18: {  	[tilespmem:s12], [sflag:$0x2] =	stream.linear.gather [hbm4b:s6+s2], $0x1400, $0x38;
	[tilespmem:$0x8540] =	vst v63  }
0x19: {  	_ =	swait.ge [sflag:s9], $0x1400  }
0x1a: {  	[sflag:s9] =	ssyncset.done $0x0  }
0x1b: {  	[sflag:s9] =	ssyncadd.s32 $0xFFFFEC00  }
0x1c: {  	_ =	swait.ge [sflag:s13], $0x5000  }
0x1d: {  	[sflag:s13] =	ssyncset.done $0x0  }
0x1e: {  	s17 =	simm.s32 $0x0;
	[sflag:s13] =	ssyncadd.s32 $0xFFFFB000  }
0x1f: {  	s20 =	simm.s32 $0x6160;
	v0 =	vld [tilespmem:s17+$0x5140]  }
0x20: {  	s21 =	simm.s32 $0x1E0;
	v1 =	vld [tilespmem:s20+$0xFFFFFFE0]  }
0x21: {  	v2 =	vld [tilespmem:s21+$0xFFFFFF60]  }
0x22: {  	v3 =	vld [tilespmem:s21+$0xFFFFFFA0]  }
0x23: {  	v4 =	vld [tilespmem:s20+$0xFFFFFFF0]  }
0x24: {  	v5 =	vld [tilespmem:s21+$0xFFFFFFE0]  }
0x25: {  	v6 =	vld [tilespmem:s20+$0x0]  }
0x26: {  	v7 =	vld [tilespmem:s20+$0x10];
	v0 =	vmul.f32 $5.000000000e-01, v0;
	v1 =	vmul.f32 v2, v1  }
0x27: {  	v2 =	vld [tilespmem:s21+$0x20]  }
0x28: {  	v8 =	vld [tilespmem:s21+$0x60];
	v0 =	vadd.f32 v1, v0;
	v1 =	vmul.f32 v3, v4  }
0x29: {  	v9 =	vld [tilespmem:s20+$0x20]  }
0x2a: {  	v0 =	vadd.f32 v1, v0;
	v1 =	vmul.f32 v5, v6;
	_ =	sdelay $0x1  }
0x2b: {  	v0 =	vadd.f32 v1, v0;
	v1 =	vmul.f32 v2, v7  }
0x2c: {  	s16 =	simm.s32 $0x40  }
0x2d: {  	v3 =	vld [tilespmem:s16+$0x5140];
	v7 =	vmul.f32 v8, v9;
	v1 =	vadd.f32 v1, v0  }
0x2e: {  	v5 =	vld [tilespmem:s17+$0x5150]  }
0x2f: {  	v2 =	vld [tilespmem:s16+$0x5150];
	v7 =	vadd.f32 v7, v1  }
0x30: {  	v0 =	vld [tilespmem:s16+$0x5160]  }
0x31: {  	v1 =	vld [tilespmem:s16+$0x5170];
	[tilespmem:s17+$0x7540] =	vst v7  }
0x32: {  	v7 =	vld [tilespmem:s20+$0xFFFFFFE0]  }
0x33: {  	v8 =	vld [tilespmem:s21+$0xFFFFFF70]  }
0x34: {  	v9 =	vld [tilespmem:s21+$0xFFFFFFB0]  }
0x35: {  	v10 =	vld [tilespmem:s20+$0xFFFFFFF0]  }
0x36: {  	v11 =	vld [tilespmem:s21+$0xFFFFFFF0]  }
0x37: {  	v12 =	vld [tilespmem:s20+$0x0]  }
0x38: {  	v5 =	vmul.f32 $5.000000000e-01, v5;
	v13 =	vld [tilespmem:s20+$0x10];
	v7 =	vmul.f32 v8, v7  }
0x39: {  	v8 =	vld [tilespmem:s21+$0x30]  }
0x3a: {  	v5 =	vadd.f32 v7, v5;
	v7 =	vmul.f32 v9, v10;
	v9 =	vld [tilespmem:s21+$0x70]  }
0x3b: {  	v10 =	vld [tilespmem:s20+$0x20]  }
0x3c: {  	v5 =	vadd.f32 v7, v5;
	v7 =	vmul.f32 v11, v12;
	_ =	sdelay $0x1  }
0x3d: {  	v5 =	vadd.f32 v7, v5;
	v7 =	vmul.f32 v8, v13;
	_ =	sdelay $0x1  }
0x3e: {  	v5 =	vadd.f32 v7, v5;
	v7 =	vmul.f32 v9, v10;
	_ =	sdelay $0x1  }
0x3f: {  	v5 =	vadd.f32 v7, v5;
	_ =	sdelay $0x1  }
0x40: {  	v6 =	vld [tilespmem:s17+$0x5160];
	[tilespmem:s17+$0x7550] =	vst v5  }
0x41: {  	v5 =	vld [tilespmem:s20+$0xFFFFFFE0]  }
0x42: {  	v7 =	vld [tilespmem:s21+$0xFFFFFF80]  }
0x43: {  	v8 =	vld [tilespmem:s21+$0xFFFFFFC0]  }
0x44: {  	v9 =	vld [tilespmem:s20+$0xFFFFFFF0]  }
0x45: {  	v10 =	vld [tilespmem:s21+$0x0]  }
0x46: {  	v11 =	vld [tilespmem:s20+$0x0]  }
0x47: {  	v6 =	vmul.f32 $5.000000000e-01, v6;
	v63 =	vld [tilespmem:s20+$0x10];
	v5 =	vmul.f32 v7, v5  }
0x48: {  	v7 =	vld [tilespmem:s21+$0x40]  }
0x49: {  	v5 =	vadd.f32 v5, v6;
	v6 =	vmul.f32 v8, v9;
	v8 =	vld [tilespmem:s21+$0x80]  }
0x4a: {  	v9 =	vld [tilespmem:s20+$0x20]  }
0x4b: {  	v5 =	vadd.f32 v6, v5;
	v6 =	vmul.f32 v10, v11;
	_ =	sdelay $0x1  }
0x4c: {  	v5 =	vadd.f32 v6, v5;
	v6 =	vmul.f32 v7, v63;
	_ =	sdelay $0x1  }
0x4d: {  	v5 =	vadd.f32 v6, v5;
	v6 =	vmul.f32 v8, v9;
	_ =	sdelay $0x1  }
0x4e: {  	v5 =	vadd.f32 v6, v5;
	_ =	sdelay $0x1  }
0x4f: {  	v4 =	vld [tilespmem:s17+$0x5170];
	[tilespmem:s17+$0x7560] =	vst v5  }
0x50: {  	v6 =	vld [tilespmem:s20+$0xFFFFFFE0]  }
0x51: {  	v8 =	vld [tilespmem:s21+$0xFFFFFF90]  }
0x52: {  	s22 =	simm.s32 $0x320;
	s23 =	simm.s32 $0x61B0;
	v5 =	vld [tilespmem:s20+$0xFFFFFFF0]  }
0x53: {  	s24 =	simm.s32 $0x200;
	s18 =	simm.s32 $0x61B0;
	s19 =	simm.s32 $0x320;
	v7 =	vld [tilespmem:s21+$0xFFFFFFD0]  }
.LBB2_2:
0x54: {  	p0 =	sne.s32 s24, $0x3F00;
	s22 =	sadd.s32 $0x140, s22;
	s23 =	sadd.s32 $0x50, s23;
	v9 =	vld [tilespmem:s20+$0x0]  }
0x55: {  	s25 =	smov.u32 s24;
	s24 =	sadd.s32 $0x100, s24;
	v10 =	vld [tilespmem:s21+$0x10]  }
0x56: {  	v11 =	vmul.f32 $5.000000000e-01, v4;
	v4 =	vmov v1;
	v6 =	vmul.f32 v8, v6;
	v8 =	vld [tilespmem:s20+$0x10]  }
0x57: {  	v1 =	vld [tilespmem:s21+$0x50]  }
0x58: {  	s25 =	sshra.s32 s25, $0x2;
	v6 =	vadd.f32 v6, v11;
	v5 =	vmul.f32 v7, v5;
	v7 =	vld [tilespmem:s20+$0x20];
	s20 =	smov.u32 s18;
	s18 =	smov.u32 s23  }
0x59: {  	v11 =	vld [tilespmem:s21+$0x90];
	s21 =	smov.u32 s19;
	s19 =	smov.u32 s22  }
0x5a: {  	v12 =	vld [tilespmem:s25+$0x5140];
	v5 =	vadd.f32 v5, v6;
	v6 =	vmul.f32 v10, v9  }
0x5b: {  	v9 =	vld [tilespmem:s25+$0x5150]  }
0x5c: {  	v10 =	vld [tilespmem:s25+$0x5160];
	v5 =	vadd.f32 v6, v5;
	v6 =	vmul.f32 v1, v8  }
0x5d: {  	v1 =	vld [tilespmem:s25+$0x5170]  }
0x5e: {  	v5 =	vadd.f32 v6, v5;
	v6 =	vmul.f32 v11, v7;
	_ =	sdelay $0x1  }
0x5f: {  	v5 =	vadd.f32 v6, v5;
	_ =	sdelay $0x1  }
0x60: {  	[tilespmem:s17+$0x7570] =	vst v5;
	s17 =	smov.u32 s16;
	s16 =	smov.u32 s25  }
0x61: {  	v5 =	vld [tilespmem:s20+$0xFFFFFFE0]  }
0x62: {  	v6 =	vld [tilespmem:s21+$0xFFFFFF60]  }
0x63: {  	v7 =	vld [tilespmem:s21+$0xFFFFFFA0]  }
0x64: {  	v8 =	vld [tilespmem:s20+$0xFFFFFFF0]  }
0x65: {  	v11 =	vld [tilespmem:s21+$0xFFFFFFE0]  }
0x66: {  	v13 =	vld [tilespmem:s20+$0x0]  }
0x67: {  	v14 =	vmul.f32 $5.000000000e-01, v3;
	v3 =	vmov v12;
	v5 =	vmul.f32 v6, v5;
	v6 =	vld [tilespmem:s21+$0x20]  }
0x68: {  	v12 =	vld [tilespmem:s20+$0x10]  }
0x69: {  	v5 =	vadd.f32 v5, v14;
	v7 =	vmul.f32 v7, v8;
	v8 =	vld [tilespmem:s21+$0x60]  }
0x6a: {  	v14 =	vld [tilespmem:s20+$0x20]  }
0x6b: {  	v5 =	vadd.f32 v7, v5;
	v7 =	vmul.f32 v11, v13;
	_ =	sdelay $0x1  }
0x6c: {  	v5 =	vadd.f32 v7, v5;
	v6 =	vmul.f32 v6, v12;
	_ =	sdelay $0x1  }
0x6d: {  	v5 =	vadd.f32 v6, v5;
	v6 =	vmul.f32 v8, v14;
	_ =	sdelay $0x1  }
0x6e: {  	v5 =	vadd.f32 v6, v5;
	_ =	sdelay $0x1  }
0x6f: {  	[tilespmem:s17+$0x7540] =	vst v5  }
0x70: {  	v5 =	vld [tilespmem:s20+$0xFFFFFFE0]  }
0x71: {  	v6 =	vld [tilespmem:s21+$0xFFFFFF70]  }
0x72: {  	v7 =	vld [tilespmem:s21+$0xFFFFFFB0]  }
0x73: {  	v8 =	vld [tilespmem:s20+$0xFFFFFFF0]  }
0x74: {  	v11 =	vld [tilespmem:s21+$0xFFFFFFF0]  }
0x75: {  	v12 =	vld [tilespmem:s20+$0x0]  }
0x76: {  	v13 =	vmul.f32 $5.000000000e-01, v2;
	v2 =	vmov v9;
	v5 =	vmul.f32 v6, v5;
	v6 =	vld [tilespmem:s21+$0x30]  }
0x77: {  	v9 =	vld [tilespmem:s20+$0x10]  }
0x78: {  	v5 =	vadd.f32 v5, v13;
	v7 =	vmul.f32 v7, v8;
	v8 =	vld [tilespmem:s21+$0x70]  }
0x79: {  	v13 =	vld [tilespmem:s20+$0x20]  }
0x7a: {  	v5 =	vadd.f32 v7, v5;
	v7 =	vmul.f32 v11, v12;
	_ =	sdelay $0x1  }
0x7b: {  	v5 =	vadd.f32 v7, v5;
	v6 =	vmul.f32 v6, v9;
	_ =	sdelay $0x1  }
0x7c: {  	v5 =	vadd.f32 v6, v5;
	v6 =	vmul.f32 v8, v13;
	_ =	sdelay $0x1  }
0x7d: {  	v5 =	vadd.f32 v6, v5;
	_ =	sdelay $0x1  }
0x7e: {  	[tilespmem:s17+$0x7550] =	vst v5  }
0x7f: {  	v5 =	vld [tilespmem:s20+$0xFFFFFFE0]  }
0x80: {  	v6 =	vld [tilespmem:s21+$0xFFFFFF80]  }
0x81: {  	v7 =	vld [tilespmem:s21+$0xFFFFFFC0]  }
0x82: {  	v8 =	vld [tilespmem:s20+$0xFFFFFFF0]  }
0x83: {  	v9 =	vld [tilespmem:s21+$0x0]  }
0x84: {  	v11 =	vld [tilespmem:s20+$0x0]  }
0x85: {  	v12 =	vmul.f32 $5.000000000e-01, v0;
	v0 =	vmov v10;
	v5 =	vmul.f32 v6, v5;
	v6 =	vld [tilespmem:s21+$0x40]  }
0x86: {  	v10 =	vld [tilespmem:s20+$0x10]  }
0x87: {  	v5 =	vadd.f32 v5, v12;
	v7 =	vmul.f32 v7, v8;
	v8 =	vld [tilespmem:s21+$0x80]  }
0x88: {  	v12 =	vld [tilespmem:s20+$0x20]  }
0x89: {  	v5 =	vadd.f32 v7, v5;
	v7 =	vmul.f32 v9, v11;
	_ =	sdelay $0x1  }
0x8a: {  	v5 =	vadd.f32 v7, v5;
	v6 =	vmul.f32 v6, v10;
	_ =	sdelay $0x1  }
0x8b: {  	v5 =	vadd.f32 v6, v5;
	v6 =	vmul.f32 v8, v12;
	_ =	sdelay $0x1  }
0x8c: {  	v5 =	vadd.f32 v6, v5;
	_ =	sdelay $0x1  }
.Ltmp0:
0x8d: {  	[tilespmem:s17+$0x7560] =	vst v5;
	(pc) =	sbr.rel @p0 .LBB2_2-.Ltmp0, $4  }
0x8e: {  	v6 =	vld [tilespmem:s20+$0xFFFFFFE0]  }
0x8f: {  	v8 =	vld [tilespmem:s21+$0xFFFFFF90]  }
0x90: {  	v5 =	vld [tilespmem:s20+$0xFFFFFFF0]  }
0x91: {  	v7 =	vld [tilespmem:s21+$0xFFFFFFD0]  }
0x92: {  	v9 =	vld [tilespmem:s20+$0x0]  }
0x93: {  	v10 =	vld [tilespmem:s21+$0x10]  }
0x94: {  	v4 =	vmul.f32 $5.000000000e-01, v4;
	v61 =	vld [tilespmem:s20+$0x10];
	v6 =	vmul.f32 v8, v6  }
0x95: {  	v11 =	vld [tilespmem:s21+$0x50]  }
0x96: {  	v62 =	vld [tilespmem:s20+$0x20];
	v4 =	vadd.f32 v6, v4;
	v5 =	vmul.f32 v7, v5  }
0x97: {  	v63 =	vld [tilespmem:s21+$0x90]  }
0x98: {  	v9 =	vmul.f32 v10, v9;
	v4 =	vadd.f32 v5, v4;
	_ =	sdelay $0x1  }
0x99: {  	v10 =	vmul.f32 v11, v61;
	v4 =	vadd.f32 v9, v4;
	_ =	sdelay $0x1  }
0x9a: {  	v11 =	vmul.f32 v63, v62;
	v4 =	vadd.f32 v10, v4;
	_ =	sdelay $0x1  }
0x9b: {  	v4 =	vadd.f32 v11, v4;
	_ =	sdelay $0x1  }
0x9c: {  	[tilespmem:s17+$0x7570] =	vst v4  }
0x9d: {  	v4 =	vld [tilespmem:s18+$0xFFFFFFE0]  }
0x9e: {  	v12 =	vld [tilespmem:s19+$0xFFFFFF60]  }
0x9f: {  	v13 =	vld [tilespmem:s19+$0xFFFFFFA0]  }
0xa0: {  	v14 =	vld [tilespmem:s18+$0xFFFFFFF0]  }
0xa1: {  	v15 =	vld [tilespmem:s19+$0xFFFFFFE0]  }
0xa2: {  	v16 =	vld [tilespmem:s18+$0x0]  }
0xa3: {  	v3 =	vmul.f32 $5.000000000e-01, v3;
	v17 =	vld [tilespmem:s19+$0x20];
	v4 =	vmul.f32 v12, v4  }
0xa4: {  	v18 =	vld [tilespmem:s18+$0x10]  }
0xa5: {  	v20 =	vld [tilespmem:s19+$0x60];
	v19 =	vmul.f32 v13, v14;
	v3 =	vadd.f32 v4, v3  }
0xa6: {  	v21 =	vld [tilespmem:s18+$0x20]  }
0xa7: {  	v22 =	vmul.f32 v15, v16;
	v3 =	vadd.f32 v19, v3;
	_ =	sdelay $0x1  }
0xa8: {  	v23 =	vmul.f32 v17, v18;
	v3 =	vadd.f32 v22, v3;
	_ =	sdelay $0x1  }
0xa9: {  	v24 =	vmul.f32 v20, v21;
	v3 =	vadd.f32 v23, v3;
	_ =	sdelay $0x1  }
0xaa: {  	v3 =	vadd.f32 v24, v3;
	_ =	sdelay $0x1  }
0xab: {  	[tilespmem:s16+$0x7540] =	vst v3  }
0xac: {  	v3 =	vld [tilespmem:s18+$0xFFFFFFE0]  }
0xad: {  	v25 =	vld [tilespmem:s19+$0xFFFFFF70]  }
0xae: {  	v26 =	vld [tilespmem:s19+$0xFFFFFFB0]  }
0xaf: {  	v27 =	vld [tilespmem:s18+$0xFFFFFFF0]  }
0xb0: {  	v28 =	vld [tilespmem:s19+$0xFFFFFFF0]  }
0xb1: {  	v29 =	vld [tilespmem:s18+$0x0]  }
0xb2: {  	v2 =	vmul.f32 $5.000000000e-01, v2;
	v30 =	vld [tilespmem:s19+$0x30];
	v3 =	vmul.f32 v25, v3  }
0xb3: {  	v31 =	vld [tilespmem:s18+$0x10]  }
0xb4: {  	v33 =	vld [tilespmem:s19+$0x70];
	v32 =	vmul.f32 v26, v27;
	v2 =	vadd.f32 v3, v2  }
0xb5: {  	v34 =	vld [tilespmem:s18+$0x20]  }
0xb6: {  	v35 =	vmul.f32 v28, v29;
	v2 =	vadd.f32 v32, v2;
	_ =	sdelay $0x1  }
0xb7: {  	v36 =	vmul.f32 v30, v31;
	v2 =	vadd.f32 v35, v2;
	_ =	sdelay $0x1  }
0xb8: {  	v37 =	vmul.f32 v33, v34;
	v2 =	vadd.f32 v36, v2;
	_ =	sdelay $0x1  }
0xb9: {  	v2 =	vadd.f32 v37, v2;
	_ =	sdelay $0x1  }
0xba: {  	[tilespmem:s16+$0x7550] =	vst v2  }
0xbb: {  	v2 =	vld [tilespmem:s18+$0xFFFFFFE0]  }
0xbc: {  	v38 =	vld [tilespmem:s19+$0xFFFFFF80]  }
0xbd: {  	v39 =	vld [tilespmem:s19+$0xFFFFFFC0]  }
0xbe: {  	v40 =	vld [tilespmem:s18+$0xFFFFFFF0]  }
0xbf: {  	v41 =	vld [tilespmem:s19+$0x0]  }
0xc0: {  	v42 =	vld [tilespmem:s18+$0x0]  }
0xc1: {  	v0 =	vmul.f32 $5.000000000e-01, v0;
	v43 =	vld [tilespmem:s19+$0x40];
	v2 =	vmul.f32 v38, v2  }
0xc2: {  	v44 =	vld [tilespmem:s18+$0x10]  }
0xc3: {  	v46 =	vld [tilespmem:s19+$0x80];
	v45 =	vmul.f32 v39, v40;
	v0 =	vadd.f32 v2, v0  }
0xc4: {  	v47 =	vld [tilespmem:s18+$0x20]  }
0xc5: {  	v48 =	vmul.f32 v41, v42;
	v0 =	vadd.f32 v45, v0;
	_ =	sdelay $0x1  }
0xc6: {  	v49 =	vmul.f32 v43, v44;
	v0 =	vadd.f32 v48, v0;
	_ =	sdelay $0x1  }
0xc7: {  	v50 =	vmul.f32 v46, v47;
	v0 =	vadd.f32 v49, v0;
	_ =	sdelay $0x1  }
0xc8: {  	v0 =	vadd.f32 v50, v0;
	_ =	sdelay $0x1  }
0xc9: {  	[tilespmem:s16+$0x7560] =	vst v0  }
0xca: {  	v0 =	vld [tilespmem:s18+$0xFFFFFFE0]  }
0xcb: {  	v51 =	vld [tilespmem:s19+$0xFFFFFF90]  }
0xcc: {  	v52 =	vld [tilespmem:s18+$0xFFFFFFF0]  }
0xcd: {  	v53 =	vld [tilespmem:s19+$0xFFFFFFD0]  }
0xce: {  	v54 =	vld [tilespmem:s18+$0x0]  }
0xcf: {  	v55 =	vld [tilespmem:s19+$0x10]  }
0xd0: {  	v1 =	vmul.f32 $5.000000000e-01, v1;
	v56 =	vld [tilespmem:s18+$0x10];
	v0 =	vmul.f32 v51, v0  }
0xd1: {  	v57 =	vld [tilespmem:s19+$0x50]  }
0xd2: {  	v59 =	vld [tilespmem:s18+$0x20];
	v58 =	vmul.f32 v53, v52;
	v0 =	vadd.f32 v0, v1  }
0xd3: {  	v60 =	vld [tilespmem:s19+$0x90]  }
0xd4: {  	v61 =	vmul.f32 v55, v54;
	v0 =	vadd.f32 v58, v0;
	_ =	sdelay $0x1  }
0xd5: {  	v62 =	vmul.f32 v57, v56;
	v0 =	vadd.f32 v61, v0;
	_ =	sdelay $0x1  }
0xd6: {  	v63 =	vmul.f32 v60, v59;
	v0 =	vadd.f32 v62, v0;
	_ =	sdelay $0x1  }
0xd7: {  	s15 =	sadd.s32 $0x1, s15;
	v0 =	vadd.f32 v63, v0  }
0xd8: {  	p0 =	sne.s32 s15, s8  }
.Ltmp1:
0xd9: {  	[tilespmem:s16+$0x7570] =	vst v0;
	(pc) =	sbr.rel @p0 .LBB2_1-.Ltmp1, $4  }
0xda: {  	[hbm4b:s7+s2] =	stream.linear.scatter [tilespmem:s14], [sflag:$0x2], $0x1000, $0x38;
	[tilespmem:$0x8540] =	vst v63  }
0xdb: {  	_ =	swait.ge [sflag:s9], $0x1000  }
0xdc: {  	[sflag:s9] =	ssyncset.done $0x0  }
0xdd: {  	[sflag:s9] =	ssyncadd.s32 $0xFFFFF000  }
0xde: {  	_ =	sfence.sel $0x180000  }
0xdf: {  	[bflag:$0x0] =	sbarrier.arrive $0xFFFF  }
0xe0: {  	p0 =	sne.s32 s1, $0x0;
	_ =	strace $0x90000047  }
0xe1: {  	s0 =	sadd.s32 @!p0 $0x100000, s0;
	[bflag:$0x2] =	sbarrier.arrive $0xFFFF  }
0xe2: {  	[sflag:s0] =	ssyncadd.tile.s32 @!p0 $0x1;
	_ =	shalt  }
.Lfunc_end2:
_tile_overlayer_lowered:
.L_overlay_start_2:
0xe3: {  	(tag) =	ssettag $0x2  }
0xe4: {  	s0 =	rddreg [dreg:$0x0];
	s2 =	stileid.u32  }
0xe5: {  	s1 =	rddreg [dreg:$0x1];
	p0 =	sne.s32 s2, $0x0  }
0xe6: {  	s3 =	rddreg [dreg:$0x2];
	[bflag:$0x3] =	sbarrier.arrive $0xFFFF;
	s2 =	simm.s32 @!p0 $0x1C02  }
0xe7: {  	[timem:s3], [sflag:s2] =	dma.local @!p0 [hbm:s0], s1  }
0xe8: {  	s0 =	simm.s32 @!p0 $0x2  }
0xe9: {  	_ =	swait.ge @!p0 [sflag:s0], s1  }
0xea: {  	s1 =	ssub.s32 @!p0 $0x0, s1;
	[sflag:s0] =	ssyncset.done @!p0 $0x0  }
0xeb: {  	[sflag:s0] =	ssyncadd.s32 @!p0 s1  }
0xec: {  	[bflag:$0x3] =	sbarrier.arrive $0xFFFF  }
0xed: {  	_ =	shalt  }

</sc_bundles>
